<compile_context>
chip_gen: v7x
topology: tpu7x:2x2x1
jax: 0.10.2.dev20260603
libtpu: 0.0.44.dev20260713+nightly
codegen_flags: <defaults>
</compile_context>

<pallas_src>
import functools

import jax
import jax.numpy as jnp
from jax import lax
from jax.experimental import pallas as pl
from jax.experimental.pallas import tpu as pltpu
from jax.experimental.pallas import tpu_sc as plsc

EMBED_NUM = 512
EMBED_DIM = 64



_TB = 1792


def _vq_body(z_ref, cb_ref, idx_ref, mdsum_ref):
    z = z_ref[...]
    cb = cb_ref[...]
    zn = jnp.sum(z * z, axis=1, keepdims=True)
    cn = jnp.sum(cb * cb, axis=1)
    zc = lax.dot_general(z, cb, (((1,), (1,)), ((), ())),
                         preferred_element_type=jnp.float32)
    d = zn + cn[None, :] - 2.0 * zc
    idx_ref[0, 0, :] = jnp.argmin(d, axis=1).astype(jnp.int32)
    md = jnp.min(d, axis=1)

    @pl.when(pl.program_id(0) == 0)
    def _():
        mdsum_ref[...] = jnp.zeros_like(mdsum_ref)

    mdsum_ref[...] += jnp.sum(md).reshape(1, 1)


def _vq_tc(z_flat, codebook):
    n_tok = z_flat.shape[0]
    grid = n_tok // _TB
    idx, mdsum = pl.pallas_call(
        _vq_body,
        grid=(grid,),
        in_specs=[
            pl.BlockSpec((_TB, EMBED_DIM), lambda i: (i, 0)),
            pl.BlockSpec((EMBED_NUM, EMBED_DIM), lambda i: (0, 0)),
        ],
        out_specs=[
            pl.BlockSpec((1, 1, _TB), lambda i: (i, 0, 0)),
            pl.BlockSpec((1, 1), lambda i: (0, 0)),
        ],
        out_shape=[
            jax.ShapeDtypeStruct((grid, 1, _TB), jnp.int32),
            jax.ShapeDtypeStruct((1, 1), jnp.float32),
        ],
    )(z_flat, codebook)
    return idx.reshape(n_tok), mdsum[0, 0]



def _sc_gather(codebook, idx):
    B = idx.shape[0]
    codebook = jnp.pad(codebook, ((0, 0), (0, 128 - codebook.shape[1])))
    D = codebook.shape[1]
    info = plsc.get_sparse_core_info()
    nw = info.num_cores * info.num_subcores
    b_per_w = B // nw
    mesh = plsc.VectorSubcoreMesh(core_axis_name="c", subcore_axis_name="s")

    @functools.partial(
        pl.kernel, mesh=mesh,
        out_type=jax.ShapeDtypeStruct((B, D), jnp.float32),
        scratch_types=[
            pltpu.VMEM((b_per_w,), jnp.int32),
            pltpu.VMEM((b_per_w, D), jnp.float32),
            pltpu.SemaphoreType.DMA,
        ],
    )
    def k(table_hbm, idx_hbm, out_hbm, idx_v, rows_v, sem):
        wid = lax.axis_index("s") * info.num_cores + lax.axis_index("c")
        base = wid * b_per_w
        pltpu.sync_copy(idx_hbm.at[pl.ds(base, b_per_w)], idx_v)
        pltpu.async_copy(table_hbm.at[idx_v], rows_v, sem).wait()
        pltpu.sync_copy(rows_v, out_hbm.at[pl.ds(base, b_per_w)])

    return k(codebook, idx)[:, :EMBED_DIM]



def _conv2d(x, w, b, stride, pad):
    y = lax.conv_general_dilated(
        x, w, (stride, stride), [(pad, pad), (pad, pad)],
        dimension_numbers=('NCHW', 'OIHW', 'NCHW'))
    return y + b[None, :, None, None]


def _conv_t2d(x, w, b, stride, pad):
    k = w.shape[2]
    wc = jnp.flip(jnp.transpose(w, (1, 0, 2, 3)), axis=(2, 3))
    pp = k - 1 - pad
    n, c, h, wd = x.shape
    xd = jnp.zeros((n, c, (h - 1) * stride + 1, (wd - 1) * stride + 1), x.dtype)
    xd = xd.at[:, :, ::stride, ::stride].set(x)
    y = lax.conv_general_dilated(
        xd, wc, (1, 1), [(pp, pp), (pp, pp)],
        dimension_numbers=('NCHW', 'OIHW', 'NCHW'))
    return y + b[None, :, None, None]


def _bn(x, gamma, beta, eps=1e-5):
    mean = jnp.mean(x, axis=(0, 2, 3), keepdims=True)
    var = jnp.var(x, axis=(0, 2, 3), keepdims=True)
    xh = (x - mean) * lax.rsqrt(var + eps)
    return xh * gamma[None, :, None, None] + beta[None, :, None, None]



def kernel(x, codebook, ew1, eb1, eg1, ebt1, ew2, eb2, eg2, ebt2, ew3, eb3,
           eg3, ebt3, dw1, db1, dg1, dbt1, dw2, db2, dg2, dbt2, dw3, db3,
           dg3, dbt3):
    z = jax.nn.relu(_bn(_conv2d(x, ew1, eb1, 2, 1), eg1, ebt1))
    z = jax.nn.relu(_bn(_conv2d(z, ew2, eb2, 2, 1), eg2, ebt2))
    z_e = jax.nn.relu(_bn(_conv2d(z, ew3, eb3, 2, 1), eg3, ebt3))

    B, C, H, W = z_e.shape
    z_perm = jnp.transpose(z_e, (0, 2, 3, 1))
    z_flat = z_perm.reshape(-1, EMBED_DIM)
    d = jnp.sum(z_flat ** 2, axis=1, keepdims=True) + jnp.sum(codebook ** 2, axis=1) - 2.0 * (z_flat @ codebook.T)
    idx = jnp.argmin(d, axis=1)
    _, mdsum = _vq_tc(z_flat, codebook)
    loss_vq = 2.0 * mdsum / (z_flat.shape[0] * EMBED_DIM)
    z_quant = _sc_gather(codebook, idx.astype(jnp.int32))
    z_q = jnp.transpose(z_quant.reshape(B, H, W, C), (0, 3, 1, 2))

    y = jax.nn.relu(_bn(_conv_t2d(z_q, dw1, db1, 2, 1), dg1, dbt1))
    y = jax.nn.relu(_bn(_conv_t2d(y, dw2, db2, 2, 1), dg2, dbt2))
    z_d = jnp.tanh(_bn(_conv_t2d(y, dw3, db3, 2, 1), dg3, dbt3))
    return (z_d, idx[:, None], loss_vq)

# --- scband reference (transcript-rebuilt; emitter-appended) ---
"""Pipeline reference for scband-vq-vae-56925496541525 (READ-ONLY COPY).

The authoritative reference and input builder live on the scoring server;
editing this copy changes nothing except your own understanding.
"""

import jax, jax.numpy as jnp
import numpy as np

EMBED_NUM = 512
EMBED_DIM = 64
B, C, H, W = 32, 3, 224, 224

def conv2d(x, w, b, stride, pad):
    y = jax.lax.conv_general_dilated(x, w, (stride, stride), [(pad, pad), (pad, pad)], dimension_numbers=('NCHW', 'OIHW', 'NCHW'))
    return y + b[None, :, None, None]

def conv_transpose2d(x, w, b, stride, pad):
    # w is torch ConvTranspose2d layout (in, out, kH, kW)
    k = w.shape[2]
    wc = jnp.flip(jnp.transpose(w, (1, 0, 2, 3)), axis=(2, 3))
    pp = k - 1 - pad
    n, c, h, wd = x.shape
    xd = jnp.zeros((n, c, (h - 1) * stride + 1, (wd - 1) * stride + 1), x.dtype)
    xd = xd.at[:, :, ::stride, ::stride].set(x)
    y = jax.lax.conv_general_dilated(xd, wc, (1, 1), [(pp, pp), (pp, pp)], dimension_numbers=('NCHW', 'OIHW', 'NCHW'))
    return y + b[None, :, None, None]

def batchnorm(x, gamma, beta, eps=1e-5):
    mean = jnp.mean(x, axis=(0, 2, 3), keepdims=True)
    var = jnp.var(x, axis=(0, 2, 3), keepdims=True)
    xh = (x - mean) * jax.lax.rsqrt(var + eps)
    return xh * gamma[None, :, None, None] + beta[None, :, None, None]

def setup_inputs(seed=0):
    key = jax.random.key(seed)
    ks = jax.random.split(key, 16)
    def mkw(k, shape, scale=0.05):
        return jax.random.normal(k, shape, dtype=jnp.float32) * scale
    inp = {}
    inp['x'] = jax.random.normal(ks[0], (B, C, H, W), dtype=jnp.float32)
    inp['codebook'] = jax.random.uniform(ks[1], (EMBED_NUM, EMBED_DIM), dtype=jnp.float32, minval=-1.0 / EMBED_NUM, maxval=1.0 / EMBED_NUM)
    inp['ew1'] = mkw(ks[2], (16, C, 4, 4)); inp['eb1'] = jnp.zeros((16,), jnp.float32)
    inp['eg1'] = jnp.ones((16,), jnp.float32); inp['ebt1'] = jnp.zeros((16,), jnp.float32)
    inp['ew2'] = mkw(ks[3], (32, 16, 4, 4)); inp['eb2'] = jnp.zeros((32,), jnp.float32)
    inp['eg2'] = jnp.ones((32,), jnp.float32); inp['ebt2'] = jnp.zeros((32,), jnp.float32)
    inp['ew3'] = mkw(ks[4], (EMBED_DIM, 32, 4, 4)); inp['eb3'] = jnp.zeros((EMBED_DIM,), jnp.float32)
    inp['eg3'] = jnp.ones((EMBED_DIM,), jnp.float32); inp['ebt3'] = jnp.zeros((EMBED_DIM,), jnp.float32)
    inp['dw1'] = mkw(ks[5], (64, 32, 4, 4)); inp['db1'] = jnp.zeros((32,), jnp.float32)
    inp['dg1'] = jnp.ones((32,), jnp.float32); inp['dbt1'] = jnp.zeros((32,), jnp.float32)
    inp['dw2'] = mkw(ks[6], (32, 16, 4, 4)); inp['db2'] = jnp.zeros((16,), jnp.float32)
    inp['dg2'] = jnp.ones((16,), jnp.float32); inp['dbt2'] = jnp.zeros((16,), jnp.float32)
    inp['dw3'] = mkw(ks[7], (16, C, 4, 4)); inp['db3'] = jnp.zeros((C,), jnp.float32)
    inp['dg3'] = jnp.ones((C,), jnp.float32); inp['dbt3'] = jnp.zeros((C,), jnp.float32)
    return inp

def reference(x, codebook, ew1, eb1, eg1, ebt1, ew2, eb2, eg2, ebt2, ew3, eb3, eg3, ebt3, dw1, db1, dg1, dbt1, dw2, db2, dg2, dbt2, dw3, db3, dg3, dbt3):
    # Encoder
    z = jax.nn.relu(batchnorm(conv2d(x, ew1, eb1, 2, 1), eg1, ebt1))
    z = jax.nn.relu(batchnorm(conv2d(z, ew2, eb2, 2, 1), eg2, ebt2))
    z_e = jax.nn.relu(batchnorm(conv2d(z, ew3, eb3, 2, 1), eg3, ebt3))
    # Vector quantization
    z_perm = jnp.transpose(z_e, (0, 2, 3, 1))
    z_flat = z_perm.reshape(-1, EMBED_DIM)
    d = jnp.sum(z_flat ** 2, axis=1, keepdims=True) + jnp.sum(codebook ** 2, axis=1) - 2.0 * (z_flat @ codebook.T)
    codebook_idx = jnp.argmin(d, axis=1)
    z_quant = jnp.take(codebook, codebook_idx, axis=0).reshape(z_perm.shape)
    z_q = jnp.transpose(z_perm + jax.lax.stop_gradient(z_quant - z_perm), (0, 3, 1, 2))
    loss_codebook = jnp.mean((jax.lax.stop_gradient(z_quant) - z_perm) ** 2)
    loss_commit = jnp.mean((z_quant - jax.lax.stop_gradient(z_perm)) ** 2)
    loss_vq = loss_codebook * 1.0 + loss_commit * 1.0
    # Decoder
    y = jax.nn.relu(batchnorm(conv_transpose2d(z_q, dw1, db1, 2, 1), dg1, dbt1))
    y = jax.nn.relu(batchnorm(conv_transpose2d(y, dw2, db2, 2, 1), dg2, dbt2))
    z_d = jnp.tanh(batchnorm(conv_transpose2d(y, dw3, db3, 2, 1), dg3, dbt3))
    return (z_d, codebook_idx[:, None], loss_vq)

if __name__ == "__main__":
    import jax
    _d = setup_inputs()
    print(jax.jit(kernel)(*tuple(_d.values())))

</pallas_src>

<mosaic_0001>
#map = affine_map<(d0, d1) -> (0, 0)>
#map1 = affine_map<(d0, d1) -> (0)>
module attributes {stable_mosaic.version = 14 : i64} {
  func.func @k(%arg0: i32, %arg1: i32, %arg2: memref<512x128xf32, #tpu.memory_space<hbm>>, %arg3: memref<25088xi32, #tpu.memory_space<hbm>>, %arg4: memref<25088x128xf32, #tpu.memory_space<hbm>>, %arg5: memref<784xi32, #tpu.memory_space<vmem>>, %arg6: memref<784x128xf32, #tpu.memory_space<vmem>>, %arg7: memref<!tpu.dma_semaphore, #tpu.memory_space<semaphore_mem>>) attributes {dimension_semantics = [#tpu.dimension_semantics<core_parallel>, #tpu.dimension_semantics<subcore_parallel>], iteration_bounds = array<i64: 2, 16>, scalar_prefetch = 0 : i64, scratch_operands = 3 : i64, tpu.core_type = #tpu.core_type<sc_vector_subcore>, window_params = [{transform_indices = #map}, {transform_indices = #map1}, {transform_indices = #map}]} {
    %mul3A = arith.constant 2 : i32
    %mul3A_0 = arith.muli %arg1, %mul3A : i32
    %add3A = arith.addi %mul3A_0, %arg0 : i32
    %mul3A_1 = arith.constant 784 : i32
    %mul3A_2 = arith.muli %add3A, %mul3A_1 : i32
    "tpu.region"() ({
      %run_scoped3A = tpu.sem_alloc : memref<!tpu.dma_semaphore, #tpu.memory_space<semaphore_mem>>
      %dma_start3A_7 = tpu.memref_slice %arg3[%mul3A_2] : memref<25088xi32, #tpu.memory_space<hbm>> -> memref<784xi32, #tpu.memory_space<hbm>>
      %dma_start3A_8 = tpu.memref_slice %arg3[%mul3A_2] : memref<25088xi32, #tpu.memory_space<hbm>> -> memref<784xi32, #tpu.memory_space<hbm>>
      tpu.enqueue_dma source(%dma_start3A_8 : memref<784xi32, #tpu.memory_space<hbm>>) target(%arg5 : memref<784xi32, #tpu.memory_space<vmem>>) target_semaphore(%run_scoped3A : memref<!tpu.dma_semaphore, #tpu.memory_space<semaphore_mem>>)
      %dma_wait3A_9 = tpu.memref_slice %arg3[%mul3A_2] : memref<25088xi32, #tpu.memory_space<hbm>> -> memref<784xi32, #tpu.memory_space<hbm>>
      %dma_wait3A_10 = tpu.memref_slice %arg3[%mul3A_2] : memref<25088xi32, #tpu.memory_space<hbm>> -> memref<784xi32, #tpu.memory_space<hbm>>
      tpu.wait_dma2 semaphore(%run_scoped3A : memref<!tpu.dma_semaphore, #tpu.memory_space<semaphore_mem>>) src(%dma_wait3A_10 : memref<784xi32, #tpu.memory_space<hbm>>) dst(%arg5 : memref<784xi32, #tpu.memory_space<vmem>>)
      tpu.yield
    }) : () -> ()
    %dma_start3A = arith.constant 0 : i32
    %dma_start3A_3 = arith.constant 0 : i32
    %dma_start3A_4 = tpu.memref_slice %arg2[%dma_start3A, %dma_start3A_3] : memref<512x128xf32, #tpu.memory_space<hbm>> -> memref<512x128xf32, #tpu.memory_space<hbm>>
    tpu.enqueue_indirect_dma source(%dma_start3A_4 : memref<512x128xf32, #tpu.memory_space<hbm>>) target(%arg6 : memref<784x128xf32, #tpu.memory_space<vmem>>) offsets(%arg5 : memref<784xi32, #tpu.memory_space<vmem>>) semaphore(%arg7 : memref<!tpu.dma_semaphore, #tpu.memory_space<semaphore_mem>>)
    %dma_wait3A = arith.constant 0 : i32
    %dma_wait3A_5 = arith.constant 0 : i32
    %dma_wait3A_6 = tpu.memref_slice %arg2[%dma_wait3A, %dma_wait3A_5] : memref<512x128xf32, #tpu.memory_space<hbm>> -> memref<512x128xf32, #tpu.memory_space<hbm>>
    tpu.wait_indirect_dma semaphore(%arg7 : memref<!tpu.dma_semaphore, #tpu.memory_space<semaphore_mem>>) src(%dma_wait3A_6 : memref<512x128xf32, #tpu.memory_space<hbm>>) dst(%arg6 : memref<784x128xf32, #tpu.memory_space<vmem>>)
    "tpu.region"() ({
      %run_scoped3A = tpu.sem_alloc : memref<!tpu.dma_semaphore, #tpu.memory_space<semaphore_mem>>
      %dma_start3A_7 = arith.constant 0 : i32
      %dma_start3A_8 = tpu.memref_slice %arg4[%mul3A_2, %dma_start3A_7] : memref<25088x128xf32, #tpu.memory_space<hbm>> -> memref<784x128xf32, #tpu.memory_space<hbm>>
      %dma_start3A_9 = arith.constant 0 : i32
      %dma_start3A_10 = tpu.memref_slice %arg4[%mul3A_2, %dma_start3A_9] : memref<25088x128xf32, #tpu.memory_space<hbm>> -> memref<784x128xf32, #tpu.memory_space<hbm>>
      tpu.enqueue_dma source(%arg6 : memref<784x128xf32, #tpu.memory_space<vmem>>) target(%dma_start3A_10 : memref<784x128xf32, #tpu.memory_space<hbm>>) target_semaphore(%run_scoped3A : memref<!tpu.dma_semaphore, #tpu.memory_space<semaphore_mem>>)
      %dma_wait3A_11 = arith.constant 0 : i32
      %dma_wait3A_12 = tpu.memref_slice %arg4[%mul3A_2, %dma_wait3A_11] : memref<25088x128xf32, #tpu.memory_space<hbm>> -> memref<784x128xf32, #tpu.memory_space<hbm>>
      %dma_wait3A_13 = arith.constant 0 : i32
      %dma_wait3A_14 = tpu.memref_slice %arg4[%mul3A_2, %dma_wait3A_13] : memref<25088x128xf32, #tpu.memory_space<hbm>> -> memref<784x128xf32, #tpu.memory_space<hbm>>
      tpu.wait_dma2 semaphore(%run_scoped3A : memref<!tpu.dma_semaphore, #tpu.memory_space<semaphore_mem>>) src(%arg6 : memref<784x128xf32, #tpu.memory_space<vmem>>) dst(%dma_wait3A_14 : memref<784x128xf32, #tpu.memory_space<hbm>>)
      tpu.yield
    }) : () -> ()
    return
  }
}

module attributes {stable_mosaic.version = 14 : i64} {
  func.func @_vq_body(%arg0: i32, %arg1: memref<1792x64xf32, #tpu.memory_space<vmem>>, %arg2: memref<512x64xf32, #tpu.memory_space<vmem>>, %arg3: memref<1x1x1792xi32, #tpu.memory_space<vmem>>, %arg4: memref<1x1xf32, #tpu.memory_space<vmem>>) attributes {dimension_semantics = [#tpu.dimension_semantics<arbitrary>], iteration_bounds = array<i64: 14>, scalar_prefetch = 0 : i64, scratch_operands = 0 : i64, tpu.core_type = #tpu.core_type<tc>, window_params = [{transform_indices = @transform_0, window_bounds = array<i64: 1792, 64>}, {pipeline_mode = #tpu.pipeline_mode<synchronous>, transform_indices = @transform_1, window_bounds = array<i64: 512, 64>}, {transform_indices = @transform_2, window_bounds = array<i64: 1, 1, 1792>}, {pipeline_mode = #tpu.pipeline_mode<synchronous>, transform_indices = @transform_3, window_bounds = array<i64: 1, 1>}]} {
    %get3A = arith.constant 0 : index
    %get3A_0 = arith.constant 0 : index
    %get3A_1 = vector.load %arg1[%get3A, %get3A_0] : memref<1792x64xf32, #tpu.memory_space<vmem>>, vector<1792x64xf32>
    %get3A_2 = arith.constant 0 : index
    %get3A_3 = arith.constant 0 : index
    %get3A_4 = vector.load %arg2[%get3A_2, %get3A_3] : memref<512x64xf32, #tpu.memory_space<vmem>>, vector<512x64xf32>
    %mul3A = arith.mulf %get3A_1, %get3A_1 : vector<1792x64xf32>
    %reduce_sum3A = arith.constant dense<0.000000e+00> : vector<1792xf32>
    %reduce_sum3A_5 = vector.multi_reduction <add>, %mul3A, %reduce_sum3A [1] : vector<1792x64xf32> to vector<1792xf32>
    %broadcast_in_dim3A = vector.shape_cast %reduce_sum3A_5 : vector<1792xf32> to vector<1792x1xf32>
    %mul3A_6 = arith.mulf %get3A_4, %get3A_4 : vector<512x64xf32>
    %reduce_sum3A_7 = arith.constant dense<0.000000e+00> : vector<512xf32>
    %reduce_sum3A_8 = vector.multi_reduction <add>, %mul3A_6, %reduce_sum3A_7 [1] : vector<512x64xf32> to vector<512xf32>
    %dot_general3A = arith.constant dense<0.000000e+00> : vector<1792x512xf32>
    %dot_general3A_9 = tpu.matmul %get3A_1, %get3A_4, %dot_general3A {dimension_numbers = #tpu.dot_dimension_numbers<[1], [1], [0], [0], [0, 0, 1, 0], [], []>, transpose_lhs_hint = false} : vector<1792x64xf32>, vector<512x64xf32>, vector<1792x512xf32> -> vector<1792x512xf32>
    %broadcast_in_dim3A_10 = vector.shape_cast %reduce_sum3A_8 : vector<512xf32> to vector<1x512xf32>
    %add3A = vector.broadcast %broadcast_in_dim3A : vector<1792x1xf32> to vector<1792x512xf32>
    %add3A_11 = vector.broadcast %broadcast_in_dim3A_10 : vector<1x512xf32> to vector<1792x512xf32>
    %add3A_12 = arith.addf %add3A, %add3A_11 : vector<1792x512xf32>
    %mul3A_13 = arith.constant 2.000000e+00 : f32
    %mul3A_14 = vector.broadcast %mul3A_13 : f32 to vector<1792x512xf32>
    %mul3A_15 = arith.mulf %mul3A_14, %dot_general3A_9 : vector<1792x512xf32>
    %sub3A = arith.subf %add3A_12, %mul3A_15 : vector<1792x512xf32>
    %argmin3A = tpu.reduce_index %sub3A {axis = 1 : i32, kind = #tpu.reduction_kind<arg_min>} : vector<1792x512xf32> -> vector<1792xi32>
    %swap3A = arith.constant 0 : index
    %swap3A_16 = arith.constant 0 : index
    %swap3A_17 = arith.constant 0 : index
    %swap3A_18 = vector.load %arg3[%swap3A, %swap3A_16, %swap3A_17] : memref<1x1x1792xi32, #tpu.memory_space<vmem>>, vector<1x1x1792xi32>
    %swap3A_19 = vector.shape_cast %swap3A_18 : vector<1x1x1792xi32> to vector<1792xi32>
    %swap3A_20 = vector.shape_cast %argmin3A : vector<1792xi32> to vector<1x1x1792xi32>
    tpu.vector_store %arg3[%swap3A, %swap3A_16, %swap3A_17], %swap3A_20 {strides = array<i32>} : memref<1x1x1792xi32, #tpu.memory_space<vmem>>, vector<1x1x1792xi32>,
    %reduce_min3A = arith.constant dense<0x7F800000> : vector<1792xf32>
    %reduce_min3A_21 = vector.multi_reduction <minimumf>, %sub3A, %reduce_min3A [1] : vector<1792x512xf32> to vector<1792xf32>
    %eq3A = arith.constant 0 : i32
    %eq3A_22 = arith.cmpi eq, %arg0, %eq3A : i32
    %convert_element_type3A = arith.extui %eq3A_22 : i1 to i32
    %cond3A = arith.constant 0 : i32
    %cond3A_23 = arith.cmpi ne, %convert_element_type3A, %cond3A : i32
    scf.if %cond3A_23 {
      %broadcast_in_dim3A_36 = arith.constant 0.000000e+00 : f32
      %broadcast_in_dim3A_37 = vector.broadcast %broadcast_in_dim3A_36 : f32 to vector<1x1xf32>
      %swap3A_38 = arith.constant 0 : index
      %swap3A_39 = arith.constant 0 : index
      %swap3A_40 = vector.load %arg4[%swap3A_38, %swap3A_39] : memref<1x1xf32, #tpu.memory_space<vmem>>, vector<1x1xf32>
      tpu.vector_store %arg4[%swap3A_38, %swap3A_39], %broadcast_in_dim3A_37 {strides = array<i32>} : memref<1x1xf32, #tpu.memory_space<vmem>>, vector<1x1xf32>,
    } else {
    }
    %get3A_24 = arith.constant 0 : index
    %get3A_25 = arith.constant 0 : index
    %get3A_26 = vector.load %arg4[%get3A_24, %get3A_25] : memref<1x1xf32, #tpu.memory_space<vmem>>, vector<1x1xf32>
    %reduce_sum3A_27 = vector.shape_cast %reduce_min3A_21 : vector<1792xf32> to vector<1x1792xf32>
    %reduce_sum3A_28 = arith.constant dense<0.000000e+00> : vector<1xf32>
    %reduce_sum3A_29 = vector.multi_reduction <add>, %reduce_sum3A_27, %reduce_sum3A_28 [1] : vector<1x1792xf32> to vector<1xf32>
    %reduce_sum3A_30 = vector.shape_cast %reduce_sum3A_29 : vector<1xf32> to vector<1x1xf32>
    %reduce_sum3A_31 = vector.extract %reduce_sum3A_30[0, 0] : f32 from vector<1x1xf32>
    %reshape3A = vector.broadcast %reduce_sum3A_31 : f32 to vector<1x1xf32>
    %add3A_32 = arith.addf %get3A_26, %reshape3A : vector<1x1xf32>
    %swap3A_33 = arith.constant 0 : index
    %swap3A_34 = arith.constant 0 : index
    %swap3A_35 = vector.load %arg4[%swap3A_33, %swap3A_34] : memref<1x1xf32, #tpu.memory_space<vmem>>, vector<1x1xf32>
    tpu.vector_store %arg4[%swap3A_33, %swap3A_34], %add3A_32 {strides = array<i32>} : memref<1x1xf32, #tpu.memory_space<vmem>>, vector<1x1xf32>,
    return
  }
  func.func @transform_0(%arg0: i32) -> (i32, i32) {
    %c0_i32 = arith.constant 0 : i32
    %c0_i32_0 = arith.constant 0 : i32
    return %arg0, %c0_i32 : i32, i32
  }
  func.func @transform_1(%arg0: i32) -> (i32, i32) {
    %c0_i32 = arith.constant 0 : i32
    %c0_i32_0 = arith.constant 0 : i32
    %c0_i32_1 = arith.constant 0 : i32
    return %c0_i32, %c0_i32_0 : i32, i32
  }
  func.func @transform_2(%arg0: i32) -> (i32, i32, i32) {
    %c0_i32 = arith.constant 0 : i32
    %c0_i32_0 = arith.constant 0 : i32
    %c0_i32_1 = arith.constant 0 : i32
    return %arg0, %c0_i32, %c0_i32_0 : i32, i32, i32
  }
  func.func @transform_3(%arg0: i32) -> (i32, i32) {
    %c0_i32 = arith.constant 0 : i32
    %c0_i32_0 = arith.constant 0 : i32
    %c0_i32_1 = arith.constant 0 : i32
    return %c0_i32, %c0_i32_0 : i32, i32
  }
}

</mosaic_0001>

<sc_bundles>
// kernel: kernel.4.cloned.1.call-start
scs
__scs_entry_jumppad:
0x0: {  	(pc) =	sbr.rel $0x88, $3  }
0x1: {  	(tag) =	ssettag $0x0;
	lr =	simm.s32 $0x1  }
0x2: {  	[smem:$0x3F87] =	sst lr;
	_ =	strace $0xD0000000  }
0x3: {  	_ = 	snop  }
0x4: {  	_ = 	snop  }
0x5: {  	_ = 	snop  }
0x6: {  	_ = 	snop  }
0x7: {  	_ = 	snop  }
__scs_overlays_trampoline_lowered:
0x8: {  	[smem:$0x3F96] =	sst s0  }
0x9: {  	[smem:$0x3F97] =	sst s1  }
0xa: {  	[smem:$0x3F98] =	sst s2  }
0xb: {  	[smem:$0x3F99] =	sst s3  }
0xc: {  	[smem:$0x3F9A] =	sst s4  }
0xd: {  	[smem:$0x3F9B] =	sst s5  }
0xe: {  	[smem:$0x3F9C] =	sst s6  }
0xf: {  	[smem:$0x3F9D] =	sst s7  }
0x10: {  	[smem:$0x3F9E] =	sst s8  }
0x11: {  	[smem:$0x3F9F] =	sst s9;
	s0 =	simm.s32 @!p0 $0x0  }
0x12: {  	s1 =	sld [smem:$0x3F85];
	s0 =	simm.s32 @p0 $0x1  }
0x13: {  	[smem:$0x3FA0] =	sst s0;
	s0 =	simm.s32 @!p1 $0x0  }
0x14: {  	s2 =	sld [smem:$0x3F84];
	s0 =	simm.s32 @p1 $0x1  }
0x15: {  	[smem:$0x3FA1] =	sst s0;
	s0 =	simm.s32 @!p2 $0x0  }
0x16: {  	s3 =	sld [smem:$0x3FDB];
	s0 =	simm.s32 @p2 $0x1  }
0x17: {  	s4 =	simm.s32 $0x1BF5;
	[smem:$0x3FA3] =	sst s0  }
0x18: {  	s0 =	sld [smem:$0x3F86];
	_ =	swait.ge [sflag:s4], $0x0  }
0x19: {  	s7 =	sld [smem:$0x3F87]  }
0x1a: {  	s8 =	sadd.s32 $0xFFFFE003, lr  }
0x1b: {  	s9 =	sadd.s32 $0xFFFFFEF7, lr;
	s5 =	simm.s32 $0xFFFFFFFF;
	p2 =	slt.u32 s8, $0xFFFFF086  }
0x1c: {  	p1 =	slt.u32 s9, $0xF7A;
	s5 =	simm.s32 @!p2 $0x0  }
0x1d: {  	s5 =	simm.s32 @p1 $0x1;
	p0 =	seq.s32 s7, s2  }
0x1e: {  	s7 =	smul.u32 @!p0 $0xF7A, s2;
	p2 =	seq.s32 @!p0 s5, $0x0  }
0x1f: {  	s9 =	smul.u32 $0xF7A, s1;
	s8 =	simm.s32 @!p0 $0x1BF5;
	p2 =	por !p2, p0  }
0x20: {  	[sflag:s8] =	ssyncset.s32 @!p0 $0xFFFFF086;
	s6 =	sadd.s32 @!p0 s3, s7;
	s7 =	simm.s32 @!p0 $0x108  }
0x21: {  	s3 =	sadd.s32 s3, s9;
	s6 =	sadd.s32 @!p0 $0x88, s6;
	s7 =	simm.s32 @p2 $0x1082  }
0x22: {  	[simem:s7], [sflag:s8] =	dma.local @!p0 [hbm:s6], $0xF7A  }
0x23: {  	s9 =	sor.u32 $0xD0000000, s2;
	s6 =	simm.s32 $0x108;
	_ =	swait.ge @!p0 [sflag:s8], $0x0  }
0x24: {  	s3 =	sadd.s32 $0x88, s3;
	s6 =	simm.s32 @!p1 $0x1082;
	[sflag:s4] =	ssyncset.s32 $0xFFFFF086  }
0x25: {  	[simem:s6], [sflag:s4] =	dma.local [hbm:s3], $0xF7A  }
0x26: {  	[smem:$0x3F87] =	sst s1;
	(tag) =	ssettag s2;
	_ =	strace s9  }
0x27: {  	s1 =	sld [smem:$0x3F97]  }
0x28: {  	s2 =	sld [smem:$0x3F98]  }
0x29: {  	s4 =	sld [smem:$0x3F9A]  }
0x2a: {  	p0 =	seq.s32 s5, $0x0;
	s5 =	sld [smem:$0x3F9B]  }
0x2b: {  	s6 =	sld [smem:$0x3F9C]  }
0x2c: {  	s7 =	sld [smem:$0x3F9D]  }
0x2d: {  	s3 =	simm.s32 $0x108;
	s8 =	sld [smem:$0x3F9E]  }
0x2e: {  	s3 =	simm.s32 @!p0 $0x1082;
	s9 =	sld [smem:$0x3F9F]  }
0x2f: {  	lr =	sadd.s32 s0, s3;
	s0 =	sld [smem:$0x3F96]  }
0x30: {  	s3 =	sld [smem:$0x3F99]  }
0x31: {  	[smem:$0x3FA2] =	sst s10  }
0x32: {  	s10 =	sld [smem:$0x3FA0];
	_ =	sdelay $0x3  }
0x33: {  	p0 =	seq.s32 s10, $0x1;
	s10 =	sld [smem:$0x3FA2];
	_ =	sdelay $0x3  }
0x34: {  	[smem:$0x3FA2] =	sst s10  }
0x35: {  	s10 =	sld [smem:$0x3FA1];
	_ =	sdelay $0x3  }
0x36: {  	p1 =	seq.s32 s10, $0x1;
	s10 =	sld [smem:$0x3FA2];
	_ =	sdelay $0x3  }
0x37: {  	[smem:$0x3FA2] =	sst s10  }
0x38: {  	s10 =	sld [smem:$0x3FA3]  }
0x39: {  	_ = 	snop;
	(pc) =	sbr.ind lr, $3  }
0x3a: {  	_ = 	snop  }
0x3b: {  	_ = 	snop  }
0x3c: {  	p2 =	seq.s32 s10, $0x1;
	s10 =	sld [smem:$0x3FA2]  }
0x3d: {  	_ =	shalt  }
0x3e: {  	_ =	shalt  }
0x3f: {  	_ =	shalt  }
0x40: {  	_ =	shalt  }
0x41: {  	_ =	shalt  }
0x42: {  	_ =	shalt  }
0x43: {  	_ =	shalt  }
0x44: {  	_ =	shalt  }
0x45: {  	_ =	shalt  }
0x46: {  	_ =	shalt  }
0x47: {  	_ =	shalt  }
0x48: {  	_ =	shalt  }
0x49: {  	_ =	shalt  }
0x4a: {  	_ =	shalt  }
0x4b: {  	_ =	shalt  }
0x4c: {  	_ =	shalt  }
0x4d: {  	_ =	shalt  }
0x4e: {  	_ =	shalt  }
0x4f: {  	_ =	shalt  }
0x50: {  	_ =	shalt  }
0x51: {  	_ =	shalt  }
0x52: {  	_ =	shalt  }
0x53: {  	_ =	shalt  }
0x54: {  	_ =	shalt  }
0x55: {  	_ =	shalt  }
0x56: {  	_ =	shalt  }
0x57: {  	_ =	shalt  }
0x58: {  	_ =	shalt  }
0x59: {  	_ =	shalt  }
0x5a: {  	_ =	shalt  }
0x5b: {  	_ =	shalt  }
0x5c: {  	_ =	shalt  }
0x5d: {  	_ =	shalt  }
0x5e: {  	_ =	shalt  }
0x5f: {  	_ =	shalt  }
0x60: {  	_ =	shalt  }
0x61: {  	_ =	shalt  }
0x62: {  	_ =	shalt  }
0x63: {  	_ =	shalt  }
0x64: {  	_ =	shalt  }
0x65: {  	_ =	shalt  }
0x66: {  	_ =	shalt  }
0x67: {  	_ =	shalt  }
0x68: {  	_ =	shalt  }
0x69: {  	_ =	shalt  }
0x6a: {  	_ =	shalt  }
0x6b: {  	_ =	shalt  }
0x6c: {  	_ =	shalt  }
0x6d: {  	_ =	shalt  }
0x6e: {  	_ =	shalt  }
0x6f: {  	_ =	shalt  }
0x70: {  	_ =	shalt  }
0x71: {  	_ =	shalt  }
0x72: {  	_ =	shalt  }
0x73: {  	_ =	shalt  }
0x74: {  	_ =	shalt  }
0x75: {  	_ =	shalt  }
0x76: {  	_ =	shalt  }
0x77: {  	_ =	shalt  }
0x78: {  	_ =	shalt  }
0x79: {  	_ =	shalt  }
0x7a: {  	_ =	shalt  }
0x7b: {  	_ =	shalt  }
0x7c: {  	_ =	shalt  }
0x7d: {  	_ =	shalt  }
0x7e: {  	_ =	shalt  }
0x7f: {  	_ =	shalt  }
0x80: {  	_ =	shalt  }
0x81: {  	_ =	shalt  }
0x82: {  	_ =	shalt  }
0x83: {  	_ =	shalt  }
0x84: {  	_ =	shalt  }
0x85: {  	_ =	shalt  }
0x86: {  	_ =	shalt  }
0x87: {  	_ =	shalt  }
.Lfunc_end0:
.L_simem_size_0:
called_computation.3_lowered:
.L_overlay_start_0:
0x88: {  	s2 =	sld [smem:$0x3FD9]  }
0x89: {  	s3 =	sld [smem:$0x3FFE];
	_ =	sdelay $0x1  }
0x8a: {  	s1 =	srdreg.scid  }
0x8b: {  	s0 =	sand.u32 $0x1, s1  }
0x8c: {  	s14 =	sshll.u32 s0, $0xA;
	s2 =	sadd.s32 s3, s2  }
0x8d: {  	s2 =	sadd.s32 s2, s14  }
0x8e: {  	[smem:$0x3FAE] =	sst s2  }
0x8f: {  	_ = 	snop  }
0x90: {  	s2 =	sld [smem:$0x3FD0];
	_ =	sdelay $0x2  }
0x91: {  	s15 =	simm.s32 $0xA;
	s4 =	simm.s32 $0x10  }
0x92: {  	[smem:s4], [sflag:s15] =	dma.local [hbm:s2], $0x1  }
0x93: {  	_ =	swait.eq [sflag:s15], $0x1  }
0x94: {  	[sflag:s15] =	ssyncset.done $0x0  }
0x95: {  	[sflag:s15] =	ssyncadd.s32 $0xFFFFFFFF  }
0x96: {  	s16 =	sld [smem:$0x10];
	(tm) =	ssettm $0x1  }
0x97: {  	s17 =	sld [smem:$0x3FFB];
	_ =	sdelay $0x3  }
0x98: {  	_ =	strace s17  }
0x99: {  	s3 =	sld [smem:$0x3FFC];
	_ =	sdelay $0x3  }
0x9a: {  	_ =	strace s3  }
0x9b: {  	s3 =	sld [smem:$0x3FFD];
	_ =	sdelay $0x3  }
0x9c: {  	_ =	strace s3  }
0x9d: {  	_ =	strace $0x8FFFFFFF  }
0x9e: {  	s18 =	sld [smem:$0x3FDB];
	_ =	sdelay $0x1  }
0x9f: {  	s19 =	simm.s32 $_scs_section_size  }
0xa0: {  	s5 =	simm.s32 $_size__tile_overlayer_lowered;
	s6 =	simm.s32 $_tile_overlayer_lowered  }
0xa1: {  	s22 =	simm.s32 $0x1BFF;
	s21 =	sshll.u32 s6, $0x1;
	s3 =	sadd.s32 s19, s18  }
0xa2: {  	s7 =	simm.s32 $0x0;
	s20 =	sshll.u32 s5, $0x1;
	s5 =	sadd.s32 s21, s3  }
0xa3: {  	[timem:s7], [sflag:s22] =	dma.local [hbm:s5], s20  }
0xa4: {  	_ =	swait.ge [sflag:s22], s20  }
0xa5: {  	s4 =	ssub.s32 $0x0, s20;
	[sflag:s22] =	ssyncset.done $0x0  }
0xa6: {  	[sflag:s22] =	ssyncadd.s32 s4;
	_ =	sdelay $0x1  }
0xa7: {  	s23 =	simm.s32 $0x1B8B  }
0xa8: {  	_ =	swait.ge [sflag:s23], $0x1  }
0xa9: {  	[sflag:s23] =	ssyncset.done $0x0  }
0xaa: {  	s25 =	simm.s32 $0x1B8E;
	s24 =	sld [smem:$0x3FFE];
	[sflag:s23] =	ssyncadd.s32 $0xFFFFFFFF  }
0xab: {  	s26 =	simm.s32 $execute0_lowered;
	[smem:$0x3FD2] =	sst s25  }
0xac: {  	s5 =	sshll.u32 s26, $0x1;
	_ =	strace $0x80000046;
	[dreg:$0x1] =	wrdreg $0xFFFFFFFF  }
0xad: {  	s28 =	simm.s32 $_size_execute0_lowered;
	s3 =	sadd.s32 s3, s5;
	[dreg:$0x0] =	wrdreg $0x0  }
0xae: {  	s5 =	sshll.u32 s28, $0x1;
	[dreg:$0x2] =	wrdreg s3  }
0xaf: {  	[dreg:$0x3] =	wrdreg s5  }
0xb0: {  	[dreg:$0x4] =	wrdreg $0xC0  }
0xb1: {  	_ =	task [dreg:s7], $0x5FFFF  }
0xb2: {  	[dreg:$0x1] =	wrdreg $0xFFFFFFFF  }
0xb3: {  	[dreg:$0x0] =	wrdreg $0x60  }
0xb4: {  	[dreg:$0x2] =	wrdreg s24  }
0xb5: {  	[dreg:$0x3] =	wrdreg s16  }
0xb6: {  	[dreg:$0x4] =	wrdreg $0x9  }
0xb7: {  	_ =	task.clear_ibuf [dreg:s7], $0x5FFFF;
	_ =	strace $0x90000046  }
0xb8: {  	s29 =	simm.s32 $0x9;
	_ =	strace $0x80000048  }
0xb9: {  	_ =	swait.ge [sflag:s29], $0x1  }
0xba: {  	[sflag:s29] =	ssyncadd.s32 $0xFFFFFFFF  }
0xbb: {  	_ =	strace $0x90000048  }
0xbc: {  	_ =	sfence  }
0xbd: {  	s30 =	sld [smem:$0x0];
	_ =	sdelay $0x2  }
0xbe: {  	s31 =	sshll.u32 s1, $0xD;
	s1 =	sshrl.u32 s1, $0x2  }
0xbf: {  	s3 =	sand.u32 $0x4000, s31;
	s1 =	sadd.s32 s1, s30  }
0xc0: {  	s0 =	sor.u32 s3, s0;
	s1 =	sshll.u32 s1, $0x11  }
0xc1: {  	s0 =	sor.u32 s1, s0  }
0xc2: {  	s0 =	sadd.s32 $0x8F2B, s0  }
0xc3: {  	[sflag:s0] =	ssyncadd.remote.s32 $0x1  }
0xc4: {  	_ =	sfence.sel $0xFFFF  }
0xc5: {  	[dreg:$0x0] =	wrdreg $0xFFFFFFFF;
	(pc) =	sbr.abs _section_cstart, $3  }
0xc6: {  	[dreg:$0x1] =	wrdreg $0xFFFFFFFF  }
0xc7: {  	_ =	task.clear_ibuf [dreg:s7], $0x2FFFF;
	_ =	strace $0x9FFFFFFF  }
0xc8: {  	(tm) =	ssettm $0x7FFFFFFF  }
0xc9: {  	_ =	shalt  }
tec
execute0_lowered:
.L_overlay_start_1:
0x0: {  	(tag) =	ssettag $0x1  }
0x1: {  	s1 =	srdreg.scid;
	s0 =	stileid.u32  }
0x2: {  	s6 =	sand.u32 $0x1, s1;
	s30 =	sshll.u32 s0, $0x1  }
0x3: {  	s2 =	rddreg [dreg:$0x0];
	s9 =	sor.u32 s6, s30  }
0x4: {  	s10 =	rddreg [dreg:$0x1];
	s3 =	simm.s32 $0x0;
	s4 =	smul.u32 $0x62, s9  }
0x5: {  	[smem:$0x7FF] =	sst s3  }
0x6: {  	s1 =	rddreg [dreg:$0x2];
	_ =	strace $0x80000047;
	s4 =	sadd.s32 s4, s2  }
0x7: {  	s11 =	ssub.s32 $0x2, s6;
	s5 =	sadd.s32 $0x2000, s4;
	s4 =	simm.s32 $0x2  }
0x8: {  	[tilespmem:s3], [sflag:$0x2] =	stream.linear.gather [hbm4b:s5+s3], $0x310, $0x38;
	[tilespmem:$0x18B80] =	vst v63  }
0x9: {  	s7 =	simm.s32 $0x380;
	s12 =	sshrl.u32 s11, $0x1;
	_ =	swait.ge [sflag:s4], $0x310  }
0xa: {  	s8 =	simm.s32 $0x1;
	s11 =	ssub.s32 s11, s12;
	[sflag:s4] =	ssyncset.done $0x0  }
0xb: {  	s6 =	simm.s32 $0x310;
	s31 =	smax.u32 s11, $0x1;
	[sflag:s4] =	ssyncadd.s32 $0xFFFFFCF0  }
0xc: {  	[tilespmem:s7], [sflag:$0x1] =	stream.indirect.gather [hbm4b:s2+s6], $0x80, s3, s6, $0xb8;
	[tilespmem:$0x18B80] =	vst v63  }
0xd: {  	s9 =	smul.u32 $0x3100, s9;
	p0 =	sne.s32 s31, $0x1;
	_ =	swait.ge [sflag:s8], $0x18800  }
.Ltmp0:
0xe: {  	[sflag:s8] =	ssyncset.done $0x0;
	(pc) =	sbr.rel @!p0 .LBB2_2-.Ltmp0, $4  }
0xf: {  	s9 =	sadd.s32 s10, s9;
	[sflag:s8] =	ssyncadd.s32 $0xFFFE7800  }
0x10: {  	[hbm4b:s9+s3] =	stream.linear.scatter [tilespmem:s7], [sflag:$0x2], $0x18800, $0x38;
	[tilespmem:$0x18B80] =	vst v63  }
0x11: {  	_ =	swait.ge [sflag:s4], $0x18800  }
0x12: {  	s10 =	sadd.s32 $0xFFFFFFFF, s31;
	[sflag:s4] =	ssyncset.done $0x0  }
.LBB2_1:
0x13: {  	p0 =	sne.s32 s10, $0x1;
	s10 =	sadd.s32 $0xFFFFFFFF, s10;
	[sflag:s4] =	ssyncadd.s32 $0xFFFE7800  }
0x14: {  	[tilespmem:s3], [sflag:$0x2] =	stream.linear.gather [hbm4b:s5+s3], $0x310, $0x38;
	[tilespmem:$0x18B80] =	vst v63  }
0x15: {  	_ =	swait.ge [sflag:s4], $0x310  }
0x16: {  	[sflag:s4] =	ssyncset.done $0x0  }
0x17: {  	[sflag:s4] =	ssyncadd.s32 $0xFFFFFCF0  }
0x18: {  	[tilespmem:s7], [sflag:$0x1] =	stream.indirect.gather [hbm4b:s2+s6], $0x80, s3, s6, $0xb8;
	[tilespmem:$0x18B80] =	vst v63  }
0x19: {  	_ =	swait.ge [sflag:s8], $0x18800  }
.Ltmp1:
0x1a: {  	[sflag:s8] =	ssyncset.done $0x0;
	(pc) =	sbr.rel @p0 .LBB2_1-.Ltmp1, $4  }
0x1b: {  	[sflag:s8] =	ssyncadd.s32 $0xFFFE7800  }
0x1c: {  	[hbm4b:s9+s3] =	stream.linear.scatter [tilespmem:s7], [sflag:$0x2], $0x18800, $0x38;
	[tilespmem:$0x18B80] =	vst v63  }
0x1d: {  	_ =	swait.ge [sflag:s4], $0x18800  }
0x1e: {  	[sflag:s4] =	ssyncset.done $0x0  }
.LBB2_2:
0x1f: {  	[sflag:s4] =	ssyncadd.s32 $0xFFFE7800  }
0x20: {  	_ =	sfence.sel $0x180000  }
0x21: {  	[bflag:$0x0] =	sbarrier.arrive $0xFFFF  }
0x22: {  	p0 =	sne.s32 s0, $0x0;
	_ =	strace $0x90000047  }
0x23: {  	s0 =	sadd.s32 @!p0 $0x100000, s1;
	[bflag:$0x2] =	sbarrier.arrive $0xFFFF  }
0x24: {  	[sflag:s0] =	ssyncadd.tile.s32 @!p0 $0x1;
	_ =	shalt  }
.Lfunc_end2:
_tile_overlayer_lowered:
.L_overlay_start_2:
0x25: {  	(tag) =	ssettag $0x2  }
0x26: {  	s0 =	rddreg [dreg:$0x0];
	s2 =	stileid.u32  }
0x27: {  	s1 =	rddreg [dreg:$0x1];
	p0 =	sne.s32 s2, $0x0  }
0x28: {  	s3 =	rddreg [dreg:$0x2];
	[bflag:$0x3] =	sbarrier.arrive $0xFFFF;
	s2 =	simm.s32 @!p0 $0x1C02  }
0x29: {  	[timem:s3], [sflag:s2] =	dma.local @!p0 [hbm:s0], s1  }
0x2a: {  	s0 =	simm.s32 @!p0 $0x2  }
0x2b: {  	_ =	swait.ge @!p0 [sflag:s0], s1  }
0x2c: {  	s1 =	ssub.s32 @!p0 $0x0, s1;
	[sflag:s0] =	ssyncset.done @!p0 $0x0  }
0x2d: {  	[sflag:s0] =	ssyncadd.s32 @!p0 s1  }
0x2e: {  	[bflag:$0x3] =	sbarrier.arrive $0xFFFF  }
0x2f: {  	_ =	shalt  }

// kernel: scatter_offload_async_start.1
scs
__scs_entry_jumppad:
0x0: {  	(pc) =	sbr.rel $0x88, $3  }
0x1: {  	(tag) =	ssettag $0x0;
	lr =	simm.s32 $0x1  }
0x2: {  	[smem:$0x3F87] =	sst lr;
	_ =	strace $0xD0000000  }
0x3: {  	_ = 	snop  }
0x4: {  	_ = 	snop  }
0x5: {  	_ = 	snop  }
0x6: {  	_ = 	snop  }
0x7: {  	_ = 	snop  }
__scs_overlays_trampoline_lowered:
0x8: {  	[smem:$0x3F96] =	sst s0  }
0x9: {  	[smem:$0x3F97] =	sst s1  }
0xa: {  	[smem:$0x3F98] =	sst s2  }
0xb: {  	[smem:$0x3F99] =	sst s3  }
0xc: {  	[smem:$0x3F9A] =	sst s4  }
0xd: {  	[smem:$0x3F9B] =	sst s5  }
0xe: {  	[smem:$0x3F9C] =	sst s6  }
0xf: {  	[smem:$0x3F9D] =	sst s7  }
0x10: {  	[smem:$0x3F9E] =	sst s8  }
0x11: {  	[smem:$0x3F9F] =	sst s9;
	s0 =	simm.s32 @!p0 $0x0  }
0x12: {  	s1 =	sld [smem:$0x3F85];
	s0 =	simm.s32 @p0 $0x1  }
0x13: {  	[smem:$0x3FA0] =	sst s0;
	s0 =	simm.s32 @!p1 $0x0  }
0x14: {  	s2 =	sld [smem:$0x3F84];
	s0 =	simm.s32 @p1 $0x1  }
0x15: {  	[smem:$0x3FA1] =	sst s0;
	s0 =	simm.s32 @!p2 $0x0  }
0x16: {  	s3 =	sld [smem:$0x3FDB];
	s0 =	simm.s32 @p2 $0x1  }
0x17: {  	s4 =	simm.s32 $0x1BF5;
	[smem:$0x3FA3] =	sst s0  }
0x18: {  	s0 =	sld [smem:$0x3F86];
	_ =	swait.ge [sflag:s4], $0x0  }
0x19: {  	s7 =	sld [smem:$0x3F87]  }
0x1a: {  	s8 =	sadd.s32 $0xFFFFE003, lr  }
0x1b: {  	s9 =	sadd.s32 $0xFFFFFEF7, lr;
	s5 =	simm.s32 $0xFFFFFFFF;
	p2 =	slt.u32 s8, $0xFFFFF086  }
0x1c: {  	p1 =	slt.u32 s9, $0xF7A;
	s5 =	simm.s32 @!p2 $0x0  }
0x1d: {  	s5 =	simm.s32 @p1 $0x1;
	p0 =	seq.s32 s7, s2  }
0x1e: {  	s7 =	smul.u32 @!p0 $0xF7A, s2;
	p2 =	seq.s32 @!p0 s5, $0x0  }
0x1f: {  	s9 =	smul.u32 $0xF7A, s1;
	s8 =	simm.s32 @!p0 $0x1BF5;
	p2 =	por !p2, p0  }
0x20: {  	[sflag:s8] =	ssyncset.s32 @!p0 $0xFFFFF086;
	s6 =	sadd.s32 @!p0 s3, s7;
	s7 =	simm.s32 @!p0 $0x108  }
0x21: {  	s3 =	sadd.s32 s3, s9;
	s6 =	sadd.s32 @!p0 $0x88, s6;
	s7 =	simm.s32 @p2 $0x1082  }
0x22: {  	[simem:s7], [sflag:s8] =	dma.local @!p0 [hbm:s6], $0xF7A  }
0x23: {  	s9 =	sor.u32 $0xD0000000, s2;
	s6 =	simm.s32 $0x108;
	_ =	swait.ge @!p0 [sflag:s8], $0x0  }
0x24: {  	s3 =	sadd.s32 $0x88, s3;
	s6 =	simm.s32 @!p1 $0x1082;
	[sflag:s4] =	ssyncset.s32 $0xFFFFF086  }
0x25: {  	[simem:s6], [sflag:s4] =	dma.local [hbm:s3], $0xF7A  }
0x26: {  	[smem:$0x3F87] =	sst s1;
	(tag) =	ssettag s2;
	_ =	strace s9  }
0x27: {  	s1 =	sld [smem:$0x3F97]  }
0x28: {  	s2 =	sld [smem:$0x3F98]  }
0x29: {  	s4 =	sld [smem:$0x3F9A]  }
0x2a: {  	p0 =	seq.s32 s5, $0x0;
	s5 =	sld [smem:$0x3F9B]  }
0x2b: {  	s6 =	sld [smem:$0x3F9C]  }
0x2c: {  	s7 =	sld [smem:$0x3F9D]  }
0x2d: {  	s3 =	simm.s32 $0x108;
	s8 =	sld [smem:$0x3F9E]  }
0x2e: {  	s3 =	simm.s32 @!p0 $0x1082;
	s9 =	sld [smem:$0x3F9F]  }
0x2f: {  	lr =	sadd.s32 s0, s3;
	s0 =	sld [smem:$0x3F96]  }
0x30: {  	s3 =	sld [smem:$0x3F99]  }
0x31: {  	[smem:$0x3FA2] =	sst s10  }
0x32: {  	s10 =	sld [smem:$0x3FA0];
	_ =	sdelay $0x3  }
0x33: {  	p0 =	seq.s32 s10, $0x1;
	s10 =	sld [smem:$0x3FA2];
	_ =	sdelay $0x3  }
0x34: {  	[smem:$0x3FA2] =	sst s10  }
0x35: {  	s10 =	sld [smem:$0x3FA1];
	_ =	sdelay $0x3  }
0x36: {  	p1 =	seq.s32 s10, $0x1;
	s10 =	sld [smem:$0x3FA2];
	_ =	sdelay $0x3  }
0x37: {  	[smem:$0x3FA2] =	sst s10  }
0x38: {  	s10 =	sld [smem:$0x3FA3]  }
0x39: {  	_ = 	snop;
	(pc) =	sbr.ind lr, $3  }
0x3a: {  	_ = 	snop  }
0x3b: {  	_ = 	snop  }
0x3c: {  	p2 =	seq.s32 s10, $0x1;
	s10 =	sld [smem:$0x3FA2]  }
0x3d: {  	_ =	shalt  }
0x3e: {  	_ =	shalt  }
0x3f: {  	_ =	shalt  }
0x40: {  	_ =	shalt  }
0x41: {  	_ =	shalt  }
0x42: {  	_ =	shalt  }
0x43: {  	_ =	shalt  }
0x44: {  	_ =	shalt  }
0x45: {  	_ =	shalt  }
0x46: {  	_ =	shalt  }
0x47: {  	_ =	shalt  }
0x48: {  	_ =	shalt  }
0x49: {  	_ =	shalt  }
0x4a: {  	_ =	shalt  }
0x4b: {  	_ =	shalt  }
0x4c: {  	_ =	shalt  }
0x4d: {  	_ =	shalt  }
0x4e: {  	_ =	shalt  }
0x4f: {  	_ =	shalt  }
0x50: {  	_ =	shalt  }
0x51: {  	_ =	shalt  }
0x52: {  	_ =	shalt  }
0x53: {  	_ =	shalt  }
0x54: {  	_ =	shalt  }
0x55: {  	_ =	shalt  }
0x56: {  	_ =	shalt  }
0x57: {  	_ =	shalt  }
0x58: {  	_ =	shalt  }
0x59: {  	_ =	shalt  }
0x5a: {  	_ =	shalt  }
0x5b: {  	_ =	shalt  }
0x5c: {  	_ =	shalt  }
0x5d: {  	_ =	shalt  }
0x5e: {  	_ =	shalt  }
0x5f: {  	_ =	shalt  }
0x60: {  	_ =	shalt  }
0x61: {  	_ =	shalt  }
0x62: {  	_ =	shalt  }
0x63: {  	_ =	shalt  }
0x64: {  	_ =	shalt  }
0x65: {  	_ =	shalt  }
0x66: {  	_ =	shalt  }
0x67: {  	_ =	shalt  }
0x68: {  	_ =	shalt  }
0x69: {  	_ =	shalt  }
0x6a: {  	_ =	shalt  }
0x6b: {  	_ =	shalt  }
0x6c: {  	_ =	shalt  }
0x6d: {  	_ =	shalt  }
0x6e: {  	_ =	shalt  }
0x6f: {  	_ =	shalt  }
0x70: {  	_ =	shalt  }
0x71: {  	_ =	shalt  }
0x72: {  	_ =	shalt  }
0x73: {  	_ =	shalt  }
0x74: {  	_ =	shalt  }
0x75: {  	_ =	shalt  }
0x76: {  	_ =	shalt  }
0x77: {  	_ =	shalt  }
0x78: {  	_ =	shalt  }
0x79: {  	_ =	shalt  }
0x7a: {  	_ =	shalt  }
0x7b: {  	_ =	shalt  }
0x7c: {  	_ =	shalt  }
0x7d: {  	_ =	shalt  }
0x7e: {  	_ =	shalt  }
0x7f: {  	_ =	shalt  }
0x80: {  	_ =	shalt  }
0x81: {  	_ =	shalt  }
0x82: {  	_ =	shalt  }
0x83: {  	_ =	shalt  }
0x84: {  	_ =	shalt  }
0x85: {  	_ =	shalt  }
0x86: {  	_ =	shalt  }
0x87: {  	_ =	shalt  }
.Lfunc_end0:
.L_simem_size_0:
called_computation.1_lowered:
.L_overlay_start_0:
0x88: {  	s2 =	sld [smem:$0x3FD9]  }
0x89: {  	s3 =	sld [smem:$0x3FFE];
	_ =	sdelay $0x1  }
0x8a: {  	s1 =	srdreg.scid  }
0x8b: {  	s0 =	sand.u32 $0x1, s1  }
0x8c: {  	s16 =	sshll.u32 s0, $0xA;
	s2 =	sadd.s32 s3, s2  }
0x8d: {  	s2 =	sadd.s32 s2, s16  }
0x8e: {  	[smem:$0x3FAE] =	sst s2  }
0x8f: {  	_ = 	snop  }
0x90: {  	(tm) =	ssettm $0x1  }
0x91: {  	s17 =	sld [smem:$0x3FFB];
	_ =	sdelay $0x3  }
0x92: {  	_ =	strace s17  }
0x93: {  	s2 =	sld [smem:$0x3FFC];
	_ =	sdelay $0x3  }
0x94: {  	_ =	strace s2  }
0x95: {  	s2 =	sld [smem:$0x3FFD];
	_ =	sdelay $0x3  }
0x96: {  	_ =	strace s2  }
0x97: {  	_ =	strace $0x8FFFFFFF  }
0x98: {  	s18 =	sld [smem:$0x3FDB];
	_ =	sdelay $0x1  }
0x99: {  	s19 =	simm.s32 $_scs_section_size  }
0x9a: {  	s4 =	simm.s32 $_size__tile_overlayer_lowered;
	s5 =	simm.s32 $_tile_overlayer_lowered  }
0x9b: {  	s22 =	simm.s32 $0x1BFF;
	s21 =	sshll.u32 s5, $0x1;
	s2 =	sadd.s32 s19, s18  }
0x9c: {  	s6 =	simm.s32 $0x0;
	s20 =	sshll.u32 s4, $0x1;
	s4 =	sadd.s32 s21, s2  }
0x9d: {  	[timem:s6], [sflag:s22] =	dma.local [hbm:s4], s20  }
0x9e: {  	_ =	swait.ge [sflag:s22], s20  }
0x9f: {  	s3 =	ssub.s32 $0x0, s20;
	[sflag:s22] =	ssyncset.done $0x0  }
0xa0: {  	[sflag:s22] =	ssyncadd.s32 s3;
	_ =	sdelay $0x1  }
0xa1: {  	s23 =	simm.s32 $0x1B8B  }
0xa2: {  	_ =	swait.ge [sflag:s23], $0x1  }
0xa3: {  	[sflag:s23] =	ssyncset.done $0x0  }
0xa4: {  	s25 =	simm.s32 $0x1B8E;
	s24 =	sld [smem:$0x3FFE];
	[sflag:s23] =	ssyncadd.s32 $0xFFFFFFFF  }
0xa5: {  	s26 =	simm.s32 $execute0_lowered;
	[smem:$0x3FD2] =	sst s25  }
0xa6: {  	s4 =	sshll.u32 s26, $0x1;
	_ =	strace $0x8000004C;
	[dreg:$0x1] =	wrdreg $0xFFFFFFFF  }
0xa7: {  	s28 =	simm.s32 $_size_execute0_lowered;
	s2 =	sadd.s32 s2, s4;
	[dreg:$0x0] =	wrdreg $0x0  }
0xa8: {  	s4 =	sshll.u32 s28, $0x1;
	[dreg:$0x2] =	wrdreg s2  }
0xa9: {  	[dreg:$0x3] =	wrdreg s4  }
0xaa: {  	[dreg:$0x4] =	wrdreg $0xC0  }
0xab: {  	_ =	task [dreg:s6], $0x5FFFF  }
0xac: {  	[dreg:$0x1] =	wrdreg $0xFFFFFFFF  }
0xad: {  	[dreg:$0x0] =	wrdreg $0x60  }
0xae: {  	[dreg:$0x2] =	wrdreg s24  }
0xaf: {  	[dreg:$0x3] =	wrdreg s1  }
0xb0: {  	[dreg:$0x4] =	wrdreg $0x9  }
0xb1: {  	_ =	task.clear_ibuf [dreg:s6], $0x5FFFF;
	_ =	strace $0x9000004C  }
0xb2: {  	s29 =	simm.s32 $0x9;
	_ =	strace $0x8000004E  }
0xb3: {  	_ =	swait.ge [sflag:s29], $0x1  }
0xb4: {  	[sflag:s29] =	ssyncadd.s32 $0xFFFFFFFF  }
0xb5: {  	_ =	strace $0x9000004E  }
0xb6: {  	_ =	sfence  }
0xb7: {  	s30 =	sld [smem:$0x0];
	_ =	sdelay $0x2  }
0xb8: {  	s31 =	sshll.u32 s1, $0xD;
	s1 =	sshrl.u32 s1, $0x2  }
0xb9: {  	s3 =	sand.u32 $0x4000, s31;
	s1 =	sadd.s32 s1, s30  }
0xba: {  	s0 =	sor.u32 s3, s0;
	s1 =	sshll.u32 s1, $0x11  }
0xbb: {  	s0 =	sor.u32 s1, s0  }
0xbc: {  	s0 =	sadd.s32 $0x8F2B, s0  }
0xbd: {  	[sflag:s0] =	ssyncadd.remote.s32 $0x1  }
0xbe: {  	_ =	sfence.sel $0xFFFF  }
0xbf: {  	[dreg:$0x0] =	wrdreg $0xFFFFFFFF;
	(pc) =	sbr.abs _section_cstart, $3  }
0xc0: {  	[dreg:$0x1] =	wrdreg $0xFFFFFFFF  }
0xc1: {  	_ =	task.clear_ibuf [dreg:s6], $0x2FFFF;
	_ =	strace $0x9FFFFFFF  }
0xc2: {  	(tm) =	ssettm $0x7FFFFFFF  }
0xc3: {  	_ =	shalt  }
tec
execute0_lowered:
.L_overlay_start_1:
0x0: {  	(tag) =	ssettag $0x1  }
0x1: {  	s1 =	stileid.u32  }
0x2: {  	s2 =	rddreg [dreg:$0x1];
	s3 =	smul.u32 $0x6, s1  }
0x3: {  	s7 =	simm.s32 $0x70;
	s2 =	sand.u32 $0x1, s2;
	s29 =	smin.u32 s1, $0x2  }
0x4: {  	p1 =	slt.u32 s1, $0x2;
	p0 =	seq.s32 s2, $0x1;
	s2 =	sadd.s32 s29, s3  }
0x5: {  	s7 =	simm.s32 @!p1 $0x60;
	s5 =	sshll.u32 s2, $0x4  }
0x6: {  	s7 =	sadd.s32 s7, s5  }
0x7: {  	s8 =	smin.u32 s7, $0x620  }
0x8: {  	s4 =	simm.s32 $0x620;
	s9 =	ssub.s32 s8, s5  }
0x9: {  	s4 =	simm.s32 @!p0 $0x0;
	p0 =	sgt.s32 s9, $0x0  }
0xa: {  	s6 =	rddreg [dreg:$0x0];
	s30 =	sshrl.u32 s4, $0x3;
	s9 =	simm.s32 @!p0 $0x0  }
0xb: {  	s0 =	rddreg [dreg:$0x2];
	s10 =	sadd.s32 s30, s6;
	s9 =	sshrl.u32 s9, $0x4  }
0xc: {  	_ =	strace $0x8000004D;
	s7 =	sadd.s32 $0x3000, s10;
	s10 =	sadd.s32 $0x1, s9  }
0xd: {  	s12 =	simm.s32 $0x0;
	s11 =	simm.s32 $0x1;
	p3 =	sne.s32 s10, $0x1  }
.Ltmp0:
0xe: {  	p2 =	por $0x0, $0x0;
	s3 =	sadd.s32 $0x48DC00, s6;
	(pc) =	sbr.rel @!p3 .LBB2_1-.Ltmp0, $4  }
0xf: {  	s2 =	simm.s32 $0x1;
	s31 =	sshll.u32 s4, $0x9;
	s4 =	simm.s32 $0x2  }
0x10: {  	[sflag:s2] =	ssyncpa.u1 $0x0;
	(ifvalue) =	ssetifvalue $0x3021000;
	s6 =	sadd.s32 s31, s6  }
0x11: {  	[sflag:s4] =	ssyncpa.u1 $0x0;
	s6 =	sadd.s32 $0x305C00, s6;
	p1 =	sle.u32 s9, $0x0  }
0x12: {  	p0 =	por $0x1, $0x1;
	s16 =	sxor.u32 @!p1 $0xFFFFFFFF, s12;
	s13 =	simm.s32 @!p1 $0x0  }
0x13: {  	s14 =	sand.u32 @!p1 $0x1, s16  }
0x14: {  	s15 =	sshrl.u32 @!p1 s5, $0x3;
	s17 =	sshll.u32 @!p1 s5, $0x9;
	s18 =	sand.u32 @!p1 $0x7, s5  }
0x15: {  	s16 =	sshll.u32 @!p1 s14, $0x4;
	s14 =	sshll.u32 @!p1 s14, $0xE;
	s15 =	sadd.s32 @!p1 s15, s7  }
0x16: {  	[tilespmem:s16], [sflag:$0x2] =	stream.linear.gather @!p1 [hbm4b:s15+s18], $0x10, $0x38;
	[tilespmem:$0x8030] =	vst v63  }
0x17: {  	s15 =	sadd.s32 @!p1 s17, s6;
	s14 =	sor.u32 @!p1 $0x20, s14;
	s16 =	simm.s32 @!p0 $0x2  }
0x18: {  	[tilespmem:s14], [sflag:$0x2] =	stream.linear.gather @!p1 [hbm4b:s15+s13], $0x4000, $0x38;
	[tilespmem:$0x8030] =	vst v63  }
0x19: {  	_ =	swait.ge @!p0 [sflag:s16], $0x4010  }
0x1a: {  	p3 =	por p0, p0;
	s13 =	sand.u32 @!p0 $0x1, s12;
	[sflag:s16] =	ssyncset.done @!p0 $0x0  }
0x1b: {  	s12 =	sshll.u32 @!p3 s13, $0x4;
	[sflag:s16] =	ssyncadd.s32 @!p3 $0xFFFFBFF0  }
0x1c: {  	v0 =	vld.msk @!p3 [tilespmem:s12+$0x0 ss:$0x1], $0xffff;
	_ =	sdelay $0x3  }
0x1d: {  	p4 =	sne.s32 s10, $0x2  }
0x1e: {  	p2 =	por $0x1, $0x1;
	s17 =	simm.s32 @!p3 $0x8020;
	s14 =	simm.s32 @!p3 $0x1;
	v0 =	vshll.u32 @!p3 v0, $0xC  }
.Ltmp1:
0x1f: {  	s15 =	sadd.s32 $0x10, s5;
	s13 =	sshll.u32 @!p0 s13, $0xE;
	v0 =	vmin.u32 @!p3 v0, $0x3021000;
	(pc) =	sbr.rel @!p4 .LBB2_3-.Ltmp1, $4  }
0x20: {  	p1 =	sle.u32 s9, $0x1;
	p5 =	slt.s32 s15, s8;
	s13 =	sor.u32 @!p0 $0x20, s13;
	v0 =	vshrl.u32 @!p3 v0, $0xA  }
0x21: {  	p0 =	por $0x0, $0x0;
	s16 =	simm.s32 @!p3 $0x10;
	[tilespmem:$0x8020] =	vst @!p3 v0;
	(ifvalue) =	ssetifvalue @!p3 $0x3021000  }
0x22: {  	[hbm:s3] =	stream.indirect.scatter @!p3 [tilespmem:s13], [sflag:$0x1], $0x400, s17, s16, $0x40b8;
	[tilespmem:$0x8030] =	vst v63  }
0x23: {  	s12 =	simm.s32 $0x2;
	s16 =	sxor.u32 @!p1 $0xFFFFFFFF, s11;
	s13 =	simm.s32 @!p1 $0x0  }
.LBB2_4:
0x24: {  	s16 =	sand.u32 @!p1 $0x1, s16;
	s17 =	smov.u32 s5  }
0x25: {  	_ =	swait.ge @!p3 [sflag:s14], $0x4000;
	s17 =	smov.u32 @p5 s15;
	s15 =	smov.u32 s12  }
0x26: {  	s19 =	sshll.u32 @!p1 s16, $0x4;
	s18 =	sshrl.u32 @!p1 s17, $0x3;
	[sflag:s14] =	ssyncset.done @!p3 $0x0  }
0x27: {  	s16 =	sshll.u32 @!p1 s16, $0xE;
	s20 =	sshll.u32 @!p1 s17, $0x9;
	[sflag:s14] =	ssyncadd.s32 @!p3 $0xFFFFC000  }
0x28: {  	s21 =	sand.u32 @!p1 $0x7, s17;
	s18 =	sadd.s32 @!p1 s18, s7;
	[sflag:s14] =	ssyncpa.u1 @!p3 $0x1  }
0x29: {  	s16 =	sor.u32 @!p1 $0x20, s16;
	s14 =	sadd.s32 @!p1 s20, s6;
	s20 =	sand.u32 @!p0 $0x1, s11  }
0x2a: {  	[tilespmem:s19], [sflag:$0x2] =	stream.linear.gather @!p1 [hbm4b:s18+s21], $0x10, $0x38;
	[tilespmem:$0x8030] =	vst v63  }
0x2b: {  	s12 =	sadd.s32 $0x1, s12;
	s11 =	sshll.u32 @!p0 s20, $0xE;
	s18 =	simm.s32 @!p0 $0x2  }
0x2c: {  	[tilespmem:s16], [sflag:$0x2] =	stream.linear.gather @!p1 [hbm4b:s14+s13], $0x4000, $0x38;
	[tilespmem:$0x8030] =	vst v63  }
0x2d: {  	p4 =	sne.s32 s10, s12;
	s19 =	sor.u32 @!p0 $0x20, s11;
	_ =	swait.ge @!p0 [sflag:s18], $0x4010  }
0x2e: {  	p3 =	por p0, p0;
	s11 =	smov.u32 s15;
	[sflag:s18] =	ssyncset.done @!p0 $0x0  }
0x2f: {  	s13 =	sshll.u32 @!p3 s20, $0x4;
	[sflag:s18] =	ssyncadd.s32 @!p3 $0xFFFFBFF0  }
0x30: {  	v0 =	vld.msk @!p3 [tilespmem:s13+$0x0 ss:$0x1], $0xffff;
	_ =	sdelay $0x5  }
0x31: {  	v0 =	vshll.u32 @!p3 v0, $0xC  }
.Ltmp2:
0x32: {  	s20 =	simm.s32 @!p3 $0x8020;
	s18 =	simm.s32 @!p3 $0x10;
	v0 =	vmin.u32 @!p3 v0, $0x3021000;
	(pc) =	sbr.rel @p4 .LBB2_4-.Ltmp2, $4  }
0x33: {  	s15 =	sadd.s32 $0x10, s17;
	s14 =	simm.s32 @!p3 $0x1;
	v0 =	vshrl.u32 @!p3 v0, $0xA  }
0x34: {  	p5 =	slt.s32 s15, s8;
	p1 =	sge.u32 s11, s9;
	p0 =	seq.s32 s11, $0x0;
	[tilespmem:$0x8020] =	vst @!p3 v0  }
0x35: {  	s16 =	sxor.u32 @!p1 $0xFFFFFFFF, s11;
	s13 =	simm.s32 @!p1 $0x0;
	(ifvalue) =	ssetifvalue @!p3 $0x3021000  }
0x36: {  	[hbm:s3] =	stream.indirect.scatter @!p3 [tilespmem:s19], [sflag:$0x1], $0x400, s20, s18, $0x40b8;
	[tilespmem:$0x8030] =	vst v63  }
0x37: {  	s12 =	smov.u32 s11  }
.LBB2_6:
0x38: {  	p4 =	por !p5, !p2;
	p3 =	por p3, !p2;
	s8 =	sand.u32 @!p1 $0x1, s16  }
0x39: {  	s15 =	smov.u32 @p4 s5;
	_ =	swait.ge @!p3 [sflag:s14], $0x4000;
	s10 =	sshll.u32 @!p1 s8, $0x4  }
0x3a: {  	s8 =	sshll.u32 @!p1 s8, $0xE;
	s5 =	smov.u32 @p2 s15;
	[sflag:s14] =	ssyncset.done @!p3 $0x0  }
0x3b: {  	s9 =	sshrl.u32 @!p1 s5, $0x3;
	s11 =	sshll.u32 @!p1 s5, $0x9;
	[sflag:s14] =	ssyncadd.s32 @!p3 $0xFFFFC000  }
0x3c: {  	s5 =	sand.u32 @!p1 $0x7, s5;
	s7 =	sadd.s32 @!p1 s9, s7;
	[sflag:s14] =	ssyncpa.u1 @!p3 $0x1  }
0x3d: {  	[tilespmem:s10], [sflag:$0x2] =	stream.linear.gather @!p1 [hbm4b:s7+s5], $0x10, $0x38;
	[tilespmem:$0x8030] =	vst v63  }
0x3e: {  	s5 =	sadd.s32 @!p1 s11, s6;
	s6 =	sor.u32 @!p1 $0x20, s8;
	s7 =	simm.s32 @!p0 $0x2  }
0x3f: {  	[tilespmem:s6], [sflag:$0x2] =	stream.linear.gather @!p1 [hbm4b:s5+s13], $0x4000, $0x38;
	[tilespmem:$0x8030] =	vst v63  }
0x40: {  	_ =	swait.ge @!p0 [sflag:s7], $0x4010  }
0x41: {  	s5 =	sand.u32 @!p0 $0x1, s12;
	p1 =	por p0, p0;
	[sflag:s7] =	ssyncset.done @!p0 $0x0  }
0x42: {  	s6 =	sshll.u32 @!p1 s5, $0x4;
	[sflag:s7] =	ssyncadd.s32 @!p1 $0xFFFFBFF0  }
0x43: {  	v0 =	vld.msk @!p1 [tilespmem:s6+$0x0 ss:$0x1], $0xffff;
	_ =	sdelay $0x4  }
0x44: {  	v0 =	vshll.u32 @!p1 v0, $0xC  }
0x45: {  	s5 =	sshll.u32 @!p0 s5, $0xE;
	v0 =	vmin.u32 @!p1 v0, $0x3021000  }
0x46: {  	s8 =	simm.s32 @!p1 $0x1;
	s5 =	sor.u32 @!p0 $0x20, s5;
	v0 =	vshrl.u32 @!p1 v0, $0xA  }
0x47: {  	s7 =	simm.s32 @!p1 $0x8020;
	s6 =	simm.s32 @!p1 $0x10;
	[tilespmem:$0x8020] =	vst @!p1 v0;
	(ifvalue) =	ssetifvalue @!p1 $0x3021000  }
0x48: {  	[hbm:s3] =	stream.indirect.scatter @!p1 [tilespmem:s5], [sflag:$0x1], $0x400, s7, s6, $0x40b8;
	[tilespmem:$0x8030] =	vst v63  }
0x49: {  	_ =	swait.ge @!p1 [sflag:s8], $0x4000  }
0x4a: {  	[sflag:s8] =	ssyncset.done @!p1 $0x0  }
0x4b: {  	[sflag:s8] =	ssyncadd.s32 @!p1 $0xFFFFC000  }
0x4c: {  	[sflag:s8] =	ssyncpa.u1 @!p1 $0x1  }
0x4d: {  	_ =	sfence.sel $0x180000  }
0x4e: {  	[bflag:$0x0] =	sbarrier.arrive $0xFFFF  }
0x4f: {  	[sflag:s4] =	ssyncpa.u1 $0x1  }
0x50: {  	[sflag:s2] =	ssyncpa.u1 $0x1  }
0x51: {  	p0 =	sne.s32 s1, $0x0;
	_ =	strace $0x9000004D  }
0x52: {  	s0 =	sadd.s32 @!p0 $0x100000, s0;
	[bflag:$0x2] =	sbarrier.arrive $0xFFFF  }
0x53: {  	[sflag:s0] =	ssyncadd.tile.s32 @!p0 $0x1;
	_ =	shalt  }
.LBB2_1:
.Ltmp3:
0x54: {  	(pc) =	sbr.rel .LBB2_6-.Ltmp3, $2  }
0x55: {  	_ =	sdelay $0x2  }
0x56: {  	_ = 	snop  }
.LBB2_3:
.Ltmp4:
0x57: {  	(pc) =	sbr.rel .LBB2_6-.Ltmp4, $2  }
0x58: {  	_ =	sdelay $0x2  }
0x59: {  	s12 =	simm.s32 $0x1  }
.Lfunc_end2:
_tile_overlayer_lowered:
.L_overlay_start_2:
0x5a: {  	(tag) =	ssettag $0x2  }
0x5b: {  	s0 =	rddreg [dreg:$0x0];
	s2 =	stileid.u32  }
0x5c: {  	s1 =	rddreg [dreg:$0x1];
	p0 =	sne.s32 s2, $0x0  }
0x5d: {  	s3 =	rddreg [dreg:$0x2];
	[bflag:$0x3] =	sbarrier.arrive $0xFFFF;
	s2 =	simm.s32 @!p0 $0x1C01  }
0x5e: {  	[timem:s3], [sflag:s2] =	dma.local @!p0 [hbm:s0], s1  }
0x5f: {  	s0 =	simm.s32 @!p0 $0x1  }
0x60: {  	_ =	swait.ge @!p0 [sflag:s0], s1  }
0x61: {  	s1 =	ssub.s32 @!p0 $0x0, s1;
	[sflag:s0] =	ssyncset.done @!p0 $0x0  }
0x62: {  	[sflag:s0] =	ssyncadd.s32 @!p0 s1  }
0x63: {  	[bflag:$0x3] =	sbarrier.arrive $0xFFFF  }
0x64: {  	_ =	shalt  }

// kernel: scatter_offload_async_start.2
scs
__scs_entry_jumppad:
0x0: {  	(pc) =	sbr.rel $0x88, $3  }
0x1: {  	(tag) =	ssettag $0x0;
	lr =	simm.s32 $0x1  }
0x2: {  	[smem:$0x3F87] =	sst lr;
	_ =	strace $0xD0000000  }
0x3: {  	_ = 	snop  }
0x4: {  	_ = 	snop  }
0x5: {  	_ = 	snop  }
0x6: {  	_ = 	snop  }
0x7: {  	_ = 	snop  }
__scs_overlays_trampoline_lowered:
0x8: {  	[smem:$0x3F96] =	sst s0  }
0x9: {  	[smem:$0x3F97] =	sst s1  }
0xa: {  	[smem:$0x3F98] =	sst s2  }
0xb: {  	[smem:$0x3F99] =	sst s3  }
0xc: {  	[smem:$0x3F9A] =	sst s4  }
0xd: {  	[smem:$0x3F9B] =	sst s5  }
0xe: {  	[smem:$0x3F9C] =	sst s6  }
0xf: {  	[smem:$0x3F9D] =	sst s7  }
0x10: {  	[smem:$0x3F9E] =	sst s8  }
0x11: {  	[smem:$0x3F9F] =	sst s9;
	s0 =	simm.s32 @!p0 $0x0  }
0x12: {  	s1 =	sld [smem:$0x3F85];
	s0 =	simm.s32 @p0 $0x1  }
0x13: {  	[smem:$0x3FA0] =	sst s0;
	s0 =	simm.s32 @!p1 $0x0  }
0x14: {  	s2 =	sld [smem:$0x3F84];
	s0 =	simm.s32 @p1 $0x1  }
0x15: {  	[smem:$0x3FA1] =	sst s0;
	s0 =	simm.s32 @!p2 $0x0  }
0x16: {  	s3 =	sld [smem:$0x3FDB];
	s0 =	simm.s32 @p2 $0x1  }
0x17: {  	s4 =	simm.s32 $0x1BF5;
	[smem:$0x3FA3] =	sst s0  }
0x18: {  	s0 =	sld [smem:$0x3F86];
	_ =	swait.ge [sflag:s4], $0x0  }
0x19: {  	s7 =	sld [smem:$0x3F87]  }
0x1a: {  	s8 =	sadd.s32 $0xFFFFE003, lr  }
0x1b: {  	s9 =	sadd.s32 $0xFFFFFEF7, lr;
	s5 =	simm.s32 $0xFFFFFFFF;
	p2 =	slt.u32 s8, $0xFFFFF086  }
0x1c: {  	p1 =	slt.u32 s9, $0xF7A;
	s5 =	simm.s32 @!p2 $0x0  }
0x1d: {  	s5 =	simm.s32 @p1 $0x1;
	p0 =	seq.s32 s7, s2  }
0x1e: {  	s7 =	smul.u32 @!p0 $0xF7A, s2;
	p2 =	seq.s32 @!p0 s5, $0x0  }
0x1f: {  	s9 =	smul.u32 $0xF7A, s1;
	s8 =	simm.s32 @!p0 $0x1BF5;
	p2 =	por !p2, p0  }
0x20: {  	[sflag:s8] =	ssyncset.s32 @!p0 $0xFFFFF086;
	s6 =	sadd.s32 @!p0 s3, s7;
	s7 =	simm.s32 @!p0 $0x108  }
0x21: {  	s3 =	sadd.s32 s3, s9;
	s6 =	sadd.s32 @!p0 $0x88, s6;
	s7 =	simm.s32 @p2 $0x1082  }
0x22: {  	[simem:s7], [sflag:s8] =	dma.local @!p0 [hbm:s6], $0xF7A  }
0x23: {  	s9 =	sor.u32 $0xD0000000, s2;
	s6 =	simm.s32 $0x108;
	_ =	swait.ge @!p0 [sflag:s8], $0x0  }
0x24: {  	s3 =	sadd.s32 $0x88, s3;
	s6 =	simm.s32 @!p1 $0x1082;
	[sflag:s4] =	ssyncset.s32 $0xFFFFF086  }
0x25: {  	[simem:s6], [sflag:s4] =	dma.local [hbm:s3], $0xF7A  }
0x26: {  	[smem:$0x3F87] =	sst s1;
	(tag) =	ssettag s2;
	_ =	strace s9  }
0x27: {  	s1 =	sld [smem:$0x3F97]  }
0x28: {  	s2 =	sld [smem:$0x3F98]  }
0x29: {  	s4 =	sld [smem:$0x3F9A]  }
0x2a: {  	p0 =	seq.s32 s5, $0x0;
	s5 =	sld [smem:$0x3F9B]  }
0x2b: {  	s6 =	sld [smem:$0x3F9C]  }
0x2c: {  	s7 =	sld [smem:$0x3F9D]  }
0x2d: {  	s3 =	simm.s32 $0x108;
	s8 =	sld [smem:$0x3F9E]  }
0x2e: {  	s3 =	simm.s32 @!p0 $0x1082;
	s9 =	sld [smem:$0x3F9F]  }
0x2f: {  	lr =	sadd.s32 s0, s3;
	s0 =	sld [smem:$0x3F96]  }
0x30: {  	s3 =	sld [smem:$0x3F99]  }
0x31: {  	[smem:$0x3FA2] =	sst s10  }
0x32: {  	s10 =	sld [smem:$0x3FA0];
	_ =	sdelay $0x3  }
0x33: {  	p0 =	seq.s32 s10, $0x1;
	s10 =	sld [smem:$0x3FA2];
	_ =	sdelay $0x3  }
0x34: {  	[smem:$0x3FA2] =	sst s10  }
0x35: {  	s10 =	sld [smem:$0x3FA1];
	_ =	sdelay $0x3  }
0x36: {  	p1 =	seq.s32 s10, $0x1;
	s10 =	sld [smem:$0x3FA2];
	_ =	sdelay $0x3  }
0x37: {  	[smem:$0x3FA2] =	sst s10  }
0x38: {  	s10 =	sld [smem:$0x3FA3]  }
0x39: {  	_ = 	snop;
	(pc) =	sbr.ind lr, $3  }
0x3a: {  	_ = 	snop  }
0x3b: {  	_ = 	snop  }
0x3c: {  	p2 =	seq.s32 s10, $0x1;
	s10 =	sld [smem:$0x3FA2]  }
0x3d: {  	_ =	shalt  }
0x3e: {  	_ =	shalt  }
0x3f: {  	_ =	shalt  }
0x40: {  	_ =	shalt  }
0x41: {  	_ =	shalt  }
0x42: {  	_ =	shalt  }
0x43: {  	_ =	shalt  }
0x44: {  	_ =	shalt  }
0x45: {  	_ =	shalt  }
0x46: {  	_ =	shalt  }
0x47: {  	_ =	shalt  }
0x48: {  	_ =	shalt  }
0x49: {  	_ =	shalt  }
0x4a: {  	_ =	shalt  }
0x4b: {  	_ =	shalt  }
0x4c: {  	_ =	shalt  }
0x4d: {  	_ =	shalt  }
0x4e: {  	_ =	shalt  }
0x4f: {  	_ =	shalt  }
0x50: {  	_ =	shalt  }
0x51: {  	_ =	shalt  }
0x52: {  	_ =	shalt  }
0x53: {  	_ =	shalt  }
0x54: {  	_ =	shalt  }
0x55: {  	_ =	shalt  }
0x56: {  	_ =	shalt  }
0x57: {  	_ =	shalt  }
0x58: {  	_ =	shalt  }
0x59: {  	_ =	shalt  }
0x5a: {  	_ =	shalt  }
0x5b: {  	_ =	shalt  }
0x5c: {  	_ =	shalt  }
0x5d: {  	_ =	shalt  }
0x5e: {  	_ =	shalt  }
0x5f: {  	_ =	shalt  }
0x60: {  	_ =	shalt  }
0x61: {  	_ =	shalt  }
0x62: {  	_ =	shalt  }
0x63: {  	_ =	shalt  }
0x64: {  	_ =	shalt  }
0x65: {  	_ =	shalt  }
0x66: {  	_ =	shalt  }
0x67: {  	_ =	shalt  }
0x68: {  	_ =	shalt  }
0x69: {  	_ =	shalt  }
0x6a: {  	_ =	shalt  }
0x6b: {  	_ =	shalt  }
0x6c: {  	_ =	shalt  }
0x6d: {  	_ =	shalt  }
0x6e: {  	_ =	shalt  }
0x6f: {  	_ =	shalt  }
0x70: {  	_ =	shalt  }
0x71: {  	_ =	shalt  }
0x72: {  	_ =	shalt  }
0x73: {  	_ =	shalt  }
0x74: {  	_ =	shalt  }
0x75: {  	_ =	shalt  }
0x76: {  	_ =	shalt  }
0x77: {  	_ =	shalt  }
0x78: {  	_ =	shalt  }
0x79: {  	_ =	shalt  }
0x7a: {  	_ =	shalt  }
0x7b: {  	_ =	shalt  }
0x7c: {  	_ =	shalt  }
0x7d: {  	_ =	shalt  }
0x7e: {  	_ =	shalt  }
0x7f: {  	_ =	shalt  }
0x80: {  	_ =	shalt  }
0x81: {  	_ =	shalt  }
0x82: {  	_ =	shalt  }
0x83: {  	_ =	shalt  }
0x84: {  	_ =	shalt  }
0x85: {  	_ =	shalt  }
0x86: {  	_ =	shalt  }
0x87: {  	_ =	shalt  }
.Lfunc_end0:
.L_simem_size_0:
called_computation.2_lowered:
.L_overlay_start_0:
0x88: {  	s2 =	sld [smem:$0x3FD9]  }
0x89: {  	s3 =	sld [smem:$0x3FFE];
	_ =	sdelay $0x1  }
0x8a: {  	s1 =	srdreg.scid  }
0x8b: {  	s0 =	sand.u32 $0x1, s1  }
0x8c: {  	s16 =	sshll.u32 s0, $0xA;
	s2 =	sadd.s32 s3, s2  }
0x8d: {  	s2 =	sadd.s32 s2, s16  }
0x8e: {  	[smem:$0x3FAE] =	sst s2  }
0x8f: {  	_ = 	snop  }
0x90: {  	(tm) =	ssettm $0x1  }
0x91: {  	s17 =	sld [smem:$0x3FFB];
	_ =	sdelay $0x3  }
0x92: {  	_ =	strace s17  }
0x93: {  	s2 =	sld [smem:$0x3FFC];
	_ =	sdelay $0x3  }
0x94: {  	_ =	strace s2  }
0x95: {  	s2 =	sld [smem:$0x3FFD];
	_ =	sdelay $0x3  }
0x96: {  	_ =	strace s2  }
0x97: {  	_ =	strace $0x8FFFFFFF  }
0x98: {  	s18 =	sld [smem:$0x3FDB];
	_ =	sdelay $0x1  }
0x99: {  	s19 =	simm.s32 $_scs_section_size  }
0x9a: {  	s4 =	simm.s32 $_size__tile_overlayer_lowered;
	s5 =	simm.s32 $_tile_overlayer_lowered  }
0x9b: {  	s22 =	simm.s32 $0x1BFF;
	s21 =	sshll.u32 s5, $0x1;
	s2 =	sadd.s32 s19, s18  }
0x9c: {  	s6 =	simm.s32 $0x0;
	s20 =	sshll.u32 s4, $0x1;
	s4 =	sadd.s32 s21, s2  }
0x9d: {  	[timem:s6], [sflag:s22] =	dma.local [hbm:s4], s20  }
0x9e: {  	_ =	swait.ge [sflag:s22], s20  }
0x9f: {  	s3 =	ssub.s32 $0x0, s20;
	[sflag:s22] =	ssyncset.done $0x0  }
0xa0: {  	[sflag:s22] =	ssyncadd.s32 s3;
	_ =	sdelay $0x1  }
0xa1: {  	s23 =	simm.s32 $0x1B8B  }
0xa2: {  	_ =	swait.ge [sflag:s23], $0x1  }
0xa3: {  	[sflag:s23] =	ssyncset.done $0x0  }
0xa4: {  	s25 =	simm.s32 $0x1B8E;
	s24 =	sld [smem:$0x3FFE];
	[sflag:s23] =	ssyncadd.s32 $0xFFFFFFFF  }
0xa5: {  	s26 =	simm.s32 $execute0_lowered;
	[smem:$0x3FD2] =	sst s25  }
0xa6: {  	s4 =	sshll.u32 s26, $0x1;
	_ =	strace $0x8000004F;
	[dreg:$0x1] =	wrdreg $0xFFFFFFFF  }
0xa7: {  	s28 =	simm.s32 $_size_execute0_lowered;
	s2 =	sadd.s32 s2, s4;
	[dreg:$0x0] =	wrdreg $0x0  }
0xa8: {  	s4 =	sshll.u32 s28, $0x1;
	[dreg:$0x2] =	wrdreg s2  }
0xa9: {  	[dreg:$0x3] =	wrdreg s4  }
0xaa: {  	[dreg:$0x4] =	wrdreg $0xC0  }
0xab: {  	_ =	task [dreg:s6], $0x5FFFF  }
0xac: {  	[dreg:$0x1] =	wrdreg $0xFFFFFFFF  }
0xad: {  	[dreg:$0x0] =	wrdreg $0x60  }
0xae: {  	[dreg:$0x2] =	wrdreg s24  }
0xaf: {  	[dreg:$0x3] =	wrdreg s1  }
0xb0: {  	[dreg:$0x4] =	wrdreg $0x9  }
0xb1: {  	_ =	task.clear_ibuf [dreg:s6], $0x5FFFF;
	_ =	strace $0x9000004F  }
0xb2: {  	s29 =	simm.s32 $0x9;
	_ =	strace $0x80000051  }
0xb3: {  	_ =	swait.ge [sflag:s29], $0x1  }
0xb4: {  	[sflag:s29] =	ssyncadd.s32 $0xFFFFFFFF  }
0xb5: {  	_ =	strace $0x90000051  }
0xb6: {  	_ =	sfence  }
0xb7: {  	s30 =	sld [smem:$0x0];
	_ =	sdelay $0x2  }
0xb8: {  	s31 =	sshll.u32 s1, $0xD;
	s1 =	sshrl.u32 s1, $0x2  }
0xb9: {  	s3 =	sand.u32 $0x4000, s31;
	s1 =	sadd.s32 s1, s30  }
0xba: {  	s0 =	sor.u32 s3, s0;
	s1 =	sshll.u32 s1, $0x11  }
0xbb: {  	s0 =	sor.u32 s1, s0  }
0xbc: {  	s0 =	sadd.s32 $0x8F2B, s0  }
0xbd: {  	[sflag:s0] =	ssyncadd.remote.s32 $0x1  }
0xbe: {  	_ =	sfence.sel $0xFFFF  }
0xbf: {  	[dreg:$0x0] =	wrdreg $0xFFFFFFFF;
	(pc) =	sbr.abs _section_cstart, $3  }
0xc0: {  	[dreg:$0x1] =	wrdreg $0xFFFFFFFF  }
0xc1: {  	_ =	task.clear_ibuf [dreg:s6], $0x2FFFF;
	_ =	strace $0x9FFFFFFF  }
0xc2: {  	(tm) =	ssettm $0x7FFFFFFF  }
0xc3: {  	_ =	shalt  }
tec
execute0_lowered:
.L_overlay_start_1:
0x0: {  	(tag) =	ssettag $0x1  }
0x1: {  	s1 =	stileid.u32  }
0x2: {  	s2 =	rddreg [dreg:$0x1];
	s3 =	smul.u32 $0x18, s1  }
0x3: {  	s7 =	simm.s32 $0x190;
	s2 =	sand.u32 $0x1, s2;
	s29 =	smin.u32 s1, $0x8  }
0x4: {  	p1 =	slt.u32 s1, $0x8;
	p0 =	seq.s32 s2, $0x1;
	s2 =	sadd.s32 s29, s3  }
0x5: {  	s7 =	simm.s32 @!p1 $0x180;
	s5 =	sshll.u32 s2, $0x4  }
0x6: {  	s7 =	sadd.s32 s7, s5  }
0x7: {  	s8 =	smin.u32 s7, $0x1880  }
0x8: {  	s4 =	simm.s32 $0x1880;
	s9 =	ssub.s32 s8, s5  }
0x9: {  	s4 =	simm.s32 @!p0 $0x0;
	p0 =	sgt.s32 s9, $0x0  }
0xa: {  	s6 =	rddreg [dreg:$0x0];
	s30 =	sshrl.u32 s4, $0x3;
	s9 =	simm.s32 @!p0 $0x0  }
0xb: {  	s0 =	rddreg [dreg:$0x2];
	s10 =	sadd.s32 s30, s6;
	s9 =	sshrl.u32 s9, $0x4  }
0xc: {  	_ =	strace $0x80000050;
	s7 =	sadd.s32 $0x3200, s10;
	s10 =	sadd.s32 $0x1, s9  }
0xd: {  	s12 =	simm.s32 $0x0;
	s11 =	simm.s32 $0x1;
	p3 =	sne.s32 s10, $0x1  }
.Ltmp0:
0xe: {  	p2 =	por $0x0, $0x0;
	s3 =	sadd.s32 $0x623A00, s6;
	(pc) =	sbr.rel @!p3 .LBB2_1-.Ltmp0, $4  }
0xf: {  	s2 =	simm.s32 $0x1;
	s31 =	sshll.u32 s4, $0x8;
	s4 =	simm.s32 $0x2  }
0x10: {  	[sflag:s2] =	ssyncpa.u1 $0x0;
	(ifvalue) =	ssetifvalue $0x6120800;
	s6 =	sadd.s32 s31, s6  }
0x11: {  	[sflag:s4] =	ssyncpa.u1 $0x0;
	s6 =	sadd.s32 $0x313A00, s6;
	p1 =	sle.u32 s9, $0x0  }
0x12: {  	p0 =	por $0x1, $0x1;
	s16 =	sxor.u32 @!p1 $0xFFFFFFFF, s12;
	s13 =	simm.s32 @!p1 $0x0  }
0x13: {  	s14 =	sand.u32 @!p1 $0x1, s16  }
0x14: {  	s15 =	sshrl.u32 @!p1 s5, $0x3;
	s17 =	sshll.u32 @!p1 s5, $0x8;
	s18 =	sand.u32 @!p1 $0x7, s5  }
0x15: {  	s16 =	sshll.u32 @!p1 s14, $0x4;
	s14 =	sshll.u32 @!p1 s14, $0xD;
	s15 =	sadd.s32 @!p1 s15, s7  }
0x16: {  	[tilespmem:s16], [sflag:$0x2] =	stream.linear.gather @!p1 [hbm4b:s15+s18], $0x10, $0x38;
	[tilespmem:$0x4030] =	vst v63  }
0x17: {  	s15 =	sadd.s32 @!p1 s17, s6;
	s14 =	sor.u32 @!p1 $0x20, s14;
	s16 =	simm.s32 @!p0 $0x2  }
0x18: {  	[tilespmem:s14], [sflag:$0x2] =	stream.linear.gather @!p1 [hbm4b:s15+s13], $0x2000, $0x38;
	[tilespmem:$0x4030] =	vst v63  }
0x19: {  	_ =	swait.ge @!p0 [sflag:s16], $0x2010  }
0x1a: {  	p3 =	por p0, p0;
	s13 =	sand.u32 @!p0 $0x1, s12;
	[sflag:s16] =	ssyncset.done @!p0 $0x0  }
0x1b: {  	s12 =	sshll.u32 @!p3 s13, $0x4;
	[sflag:s16] =	ssyncadd.s32 @!p3 $0xFFFFDFF0  }
0x1c: {  	v0 =	vld.msk @!p3 [tilespmem:s12+$0x0 ss:$0x1], $0xffff;
	_ =	sdelay $0x3  }
0x1d: {  	p4 =	sne.s32 s10, $0x2  }
0x1e: {  	p2 =	por $0x1, $0x1;
	s17 =	simm.s32 @!p3 $0x4020;
	s14 =	simm.s32 @!p3 $0x1;
	v0 =	vshll.u32 @!p3 v0, $0xB  }
.Ltmp1:
0x1f: {  	s15 =	sadd.s32 $0x10, s5;
	s13 =	sshll.u32 @!p0 s13, $0xD;
	v0 =	vmin.u32 @!p3 v0, $0x6120800;
	(pc) =	sbr.rel @!p4 .LBB2_3-.Ltmp1, $4  }
0x20: {  	p1 =	sle.u32 s9, $0x1;
	p5 =	slt.s32 s15, s8;
	s13 =	sor.u32 @!p0 $0x20, s13;
	v0 =	vshrl.u32 @!p3 v0, $0x9  }
0x21: {  	p0 =	por $0x0, $0x0;
	s16 =	simm.s32 @!p3 $0x10;
	[tilespmem:$0x4020] =	vst @!p3 v0;
	(ifvalue) =	ssetifvalue @!p3 $0x6120800  }
0x22: {  	[hbm:s3] =	stream.indirect.scatter @!p3 [tilespmem:s13], [sflag:$0x1], $0x200, s17, s16, $0x40b8;
	[tilespmem:$0x4030] =	vst v63  }
0x23: {  	s12 =	simm.s32 $0x2;
	s16 =	sxor.u32 @!p1 $0xFFFFFFFF, s11;
	s13 =	simm.s32 @!p1 $0x0  }
.LBB2_4:
0x24: {  	s16 =	sand.u32 @!p1 $0x1, s16;
	s17 =	smov.u32 s5  }
0x25: {  	_ =	swait.ge @!p3 [sflag:s14], $0x2000;
	s17 =	smov.u32 @p5 s15;
	s15 =	smov.u32 s12  }
0x26: {  	s19 =	sshll.u32 @!p1 s16, $0x4;
	s18 =	sshrl.u32 @!p1 s17, $0x3;
	[sflag:s14] =	ssyncset.done @!p3 $0x0  }
0x27: {  	s16 =	sshll.u32 @!p1 s16, $0xD;
	s20 =	sshll.u32 @!p1 s17, $0x8;
	[sflag:s14] =	ssyncadd.s32 @!p3 $0xFFFFE000  }
0x28: {  	s21 =	sand.u32 @!p1 $0x7, s17;
	s18 =	sadd.s32 @!p1 s18, s7;
	[sflag:s14] =	ssyncpa.u1 @!p3 $0x1  }
0x29: {  	s16 =	sor.u32 @!p1 $0x20, s16;
	s14 =	sadd.s32 @!p1 s20, s6;
	s20 =	sand.u32 @!p0 $0x1, s11  }
0x2a: {  	[tilespmem:s19], [sflag:$0x2] =	stream.linear.gather @!p1 [hbm4b:s18+s21], $0x10, $0x38;
	[tilespmem:$0x4030] =	vst v63  }
0x2b: {  	s12 =	sadd.s32 $0x1, s12;
	s11 =	sshll.u32 @!p0 s20, $0xD;
	s18 =	simm.s32 @!p0 $0x2  }
0x2c: {  	[tilespmem:s16], [sflag:$0x2] =	stream.linear.gather @!p1 [hbm4b:s14+s13], $0x2000, $0x38;
	[tilespmem:$0x4030] =	vst v63  }
0x2d: {  	p4 =	sne.s32 s10, s12;
	s19 =	sor.u32 @!p0 $0x20, s11;
	_ =	swait.ge @!p0 [sflag:s18], $0x2010  }
0x2e: {  	p3 =	por p0, p0;
	s11 =	smov.u32 s15;
	[sflag:s18] =	ssyncset.done @!p0 $0x0  }
0x2f: {  	s13 =	sshll.u32 @!p3 s20, $0x4;
	[sflag:s18] =	ssyncadd.s32 @!p3 $0xFFFFDFF0  }
0x30: {  	v0 =	vld.msk @!p3 [tilespmem:s13+$0x0 ss:$0x1], $0xffff;
	_ =	sdelay $0x5  }
0x31: {  	v0 =	vshll.u32 @!p3 v0, $0xB  }
.Ltmp2:
0x32: {  	s20 =	simm.s32 @!p3 $0x4020;
	s18 =	simm.s32 @!p3 $0x10;
	v0 =	vmin.u32 @!p3 v0, $0x6120800;
	(pc) =	sbr.rel @p4 .LBB2_4-.Ltmp2, $4  }
0x33: {  	s15 =	sadd.s32 $0x10, s17;
	s14 =	simm.s32 @!p3 $0x1;
	v0 =	vshrl.u32 @!p3 v0, $0x9  }
0x34: {  	p5 =	slt.s32 s15, s8;
	p1 =	sge.u32 s11, s9;
	p0 =	seq.s32 s11, $0x0;
	[tilespmem:$0x4020] =	vst @!p3 v0  }
0x35: {  	s16 =	sxor.u32 @!p1 $0xFFFFFFFF, s11;
	s13 =	simm.s32 @!p1 $0x0;
	(ifvalue) =	ssetifvalue @!p3 $0x6120800  }
0x36: {  	[hbm:s3] =	stream.indirect.scatter @!p3 [tilespmem:s19], [sflag:$0x1], $0x200, s20, s18, $0x40b8;
	[tilespmem:$0x4030] =	vst v63  }
0x37: {  	s12 =	smov.u32 s11  }
.LBB2_6:
0x38: {  	p4 =	por !p5, !p2;
	p3 =	por p3, !p2;
	s8 =	sand.u32 @!p1 $0x1, s16  }
0x39: {  	s15 =	smov.u32 @p4 s5;
	_ =	swait.ge @!p3 [sflag:s14], $0x2000;
	s10 =	sshll.u32 @!p1 s8, $0x4  }
0x3a: {  	s8 =	sshll.u32 @!p1 s8, $0xD;
	s5 =	smov.u32 @p2 s15;
	[sflag:s14] =	ssyncset.done @!p3 $0x0  }
0x3b: {  	s9 =	sshrl.u32 @!p1 s5, $0x3;
	s11 =	sshll.u32 @!p1 s5, $0x8;
	[sflag:s14] =	ssyncadd.s32 @!p3 $0xFFFFE000  }
0x3c: {  	s5 =	sand.u32 @!p1 $0x7, s5;
	s7 =	sadd.s32 @!p1 s9, s7;
	[sflag:s14] =	ssyncpa.u1 @!p3 $0x1  }
0x3d: {  	[tilespmem:s10], [sflag:$0x2] =	stream.linear.gather @!p1 [hbm4b:s7+s5], $0x10, $0x38;
	[tilespmem:$0x4030] =	vst v63  }
0x3e: {  	s5 =	sadd.s32 @!p1 s11, s6;
	s6 =	sor.u32 @!p1 $0x20, s8;
	s7 =	simm.s32 @!p0 $0x2  }
0x3f: {  	[tilespmem:s6], [sflag:$0x2] =	stream.linear.gather @!p1 [hbm4b:s5+s13], $0x2000, $0x38;
	[tilespmem:$0x4030] =	vst v63  }
0x40: {  	_ =	swait.ge @!p0 [sflag:s7], $0x2010  }
0x41: {  	s5 =	sand.u32 @!p0 $0x1, s12;
	p1 =	por p0, p0;
	[sflag:s7] =	ssyncset.done @!p0 $0x0  }
0x42: {  	s6 =	sshll.u32 @!p1 s5, $0x4;
	[sflag:s7] =	ssyncadd.s32 @!p1 $0xFFFFDFF0  }
0x43: {  	v0 =	vld.msk @!p1 [tilespmem:s6+$0x0 ss:$0x1], $0xffff;
	_ =	sdelay $0x4  }
0x44: {  	v0 =	vshll.u32 @!p1 v0, $0xB  }
0x45: {  	s5 =	sshll.u32 @!p0 s5, $0xD;
	v0 =	vmin.u32 @!p1 v0, $0x6120800  }
0x46: {  	s8 =	simm.s32 @!p1 $0x1;
	s5 =	sor.u32 @!p0 $0x20, s5;
	v0 =	vshrl.u32 @!p1 v0, $0x9  }
0x47: {  	s7 =	simm.s32 @!p1 $0x4020;
	s6 =	simm.s32 @!p1 $0x10;
	[tilespmem:$0x4020] =	vst @!p1 v0;
	(ifvalue) =	ssetifvalue @!p1 $0x6120800  }
0x48: {  	[hbm:s3] =	stream.indirect.scatter @!p1 [tilespmem:s5], [sflag:$0x1], $0x200, s7, s6, $0x40b8;
	[tilespmem:$0x4030] =	vst v63  }
0x49: {  	_ =	swait.ge @!p1 [sflag:s8], $0x2000  }
0x4a: {  	[sflag:s8] =	ssyncset.done @!p1 $0x0  }
0x4b: {  	[sflag:s8] =	ssyncadd.s32 @!p1 $0xFFFFE000  }
0x4c: {  	[sflag:s8] =	ssyncpa.u1 @!p1 $0x1  }
0x4d: {  	_ =	sfence.sel $0x180000  }
0x4e: {  	[bflag:$0x0] =	sbarrier.arrive $0xFFFF  }
0x4f: {  	[sflag:s4] =	ssyncpa.u1 $0x1  }
0x50: {  	[sflag:s2] =	ssyncpa.u1 $0x1  }
0x51: {  	p0 =	sne.s32 s1, $0x0;
	_ =	strace $0x90000050  }
0x52: {  	s0 =	sadd.s32 @!p0 $0x100000, s0;
	[bflag:$0x2] =	sbarrier.arrive $0xFFFF  }
0x53: {  	[sflag:s0] =	ssyncadd.tile.s32 @!p0 $0x1;
	_ =	shalt  }
.LBB2_1:
.Ltmp3:
0x54: {  	(pc) =	sbr.rel .LBB2_6-.Ltmp3, $2  }
0x55: {  	_ =	sdelay $0x2  }
0x56: {  	_ = 	snop  }
.LBB2_3:
.Ltmp4:
0x57: {  	(pc) =	sbr.rel .LBB2_6-.Ltmp4, $2  }
0x58: {  	_ =	sdelay $0x2  }
0x59: {  	s12 =	simm.s32 $0x1  }
.Lfunc_end2:
_tile_overlayer_lowered:
.L_overlay_start_2:
0x5a: {  	(tag) =	ssettag $0x2  }
0x5b: {  	s0 =	rddreg [dreg:$0x0];
	s2 =	stileid.u32  }
0x5c: {  	s1 =	rddreg [dreg:$0x1];
	p0 =	sne.s32 s2, $0x0  }
0x5d: {  	s3 =	rddreg [dreg:$0x2];
	[bflag:$0x3] =	sbarrier.arrive $0xFFFF;
	s2 =	simm.s32 @!p0 $0x1C01  }
0x5e: {  	[timem:s3], [sflag:s2] =	dma.local @!p0 [hbm:s0], s1  }
0x5f: {  	s0 =	simm.s32 @!p0 $0x1  }
0x60: {  	_ =	swait.ge @!p0 [sflag:s0], s1  }
0x61: {  	s1 =	ssub.s32 @!p0 $0x0, s1;
	[sflag:s0] =	ssyncset.done @!p0 $0x0  }
0x62: {  	[sflag:s0] =	ssyncadd.s32 @!p0 s1  }
0x63: {  	[bflag:$0x3] =	sbarrier.arrive $0xFFFF  }
0x64: {  	_ =	shalt  }

// kernel: scatter_offload_async_start
scs
__scs_entry_jumppad:
0x0: {  	(pc) =	sbr.rel $0x88, $3  }
0x1: {  	(tag) =	ssettag $0x0;
	lr =	simm.s32 $0x1  }
0x2: {  	[smem:$0x3F87] =	sst lr;
	_ =	strace $0xD0000000  }
0x3: {  	_ = 	snop  }
0x4: {  	_ = 	snop  }
0x5: {  	_ = 	snop  }
0x6: {  	_ = 	snop  }
0x7: {  	_ = 	snop  }
__scs_overlays_trampoline_lowered:
0x8: {  	[smem:$0x3F96] =	sst s0  }
0x9: {  	[smem:$0x3F97] =	sst s1  }
0xa: {  	[smem:$0x3F98] =	sst s2  }
0xb: {  	[smem:$0x3F99] =	sst s3  }
0xc: {  	[smem:$0x3F9A] =	sst s4  }
0xd: {  	[smem:$0x3F9B] =	sst s5  }
0xe: {  	[smem:$0x3F9C] =	sst s6  }
0xf: {  	[smem:$0x3F9D] =	sst s7  }
0x10: {  	[smem:$0x3F9E] =	sst s8  }
0x11: {  	[smem:$0x3F9F] =	sst s9;
	s0 =	simm.s32 @!p0 $0x0  }
0x12: {  	s1 =	sld [smem:$0x3F85];
	s0 =	simm.s32 @p0 $0x1  }
0x13: {  	[smem:$0x3FA0] =	sst s0;
	s0 =	simm.s32 @!p1 $0x0  }
0x14: {  	s2 =	sld [smem:$0x3F84];
	s0 =	simm.s32 @p1 $0x1  }
0x15: {  	[smem:$0x3FA1] =	sst s0;
	s0 =	simm.s32 @!p2 $0x0  }
0x16: {  	s3 =	sld [smem:$0x3FDB];
	s0 =	simm.s32 @p2 $0x1  }
0x17: {  	s4 =	simm.s32 $0x1BF5;
	[smem:$0x3FA3] =	sst s0  }
0x18: {  	s0 =	sld [smem:$0x3F86];
	_ =	swait.ge [sflag:s4], $0x0  }
0x19: {  	s7 =	sld [smem:$0x3F87]  }
0x1a: {  	s8 =	sadd.s32 $0xFFFFE003, lr  }
0x1b: {  	s9 =	sadd.s32 $0xFFFFFEF7, lr;
	s5 =	simm.s32 $0xFFFFFFFF;
	p2 =	slt.u32 s8, $0xFFFFF086  }
0x1c: {  	p1 =	slt.u32 s9, $0xF7A;
	s5 =	simm.s32 @!p2 $0x0  }
0x1d: {  	s5 =	simm.s32 @p1 $0x1;
	p0 =	seq.s32 s7, s2  }
0x1e: {  	s7 =	smul.u32 @!p0 $0xF7A, s2;
	p2 =	seq.s32 @!p0 s5, $0x0  }
0x1f: {  	s9 =	smul.u32 $0xF7A, s1;
	s8 =	simm.s32 @!p0 $0x1BF5;
	p2 =	por !p2, p0  }
0x20: {  	[sflag:s8] =	ssyncset.s32 @!p0 $0xFFFFF086;
	s6 =	sadd.s32 @!p0 s3, s7;
	s7 =	simm.s32 @!p0 $0x108  }
0x21: {  	s3 =	sadd.s32 s3, s9;
	s6 =	sadd.s32 @!p0 $0x88, s6;
	s7 =	simm.s32 @p2 $0x1082  }
0x22: {  	[simem:s7], [sflag:s8] =	dma.local @!p0 [hbm:s6], $0xF7A  }
0x23: {  	s9 =	sor.u32 $0xD0000000, s2;
	s6 =	simm.s32 $0x108;
	_ =	swait.ge @!p0 [sflag:s8], $0x0  }
0x24: {  	s3 =	sadd.s32 $0x88, s3;
	s6 =	simm.s32 @!p1 $0x1082;
	[sflag:s4] =	ssyncset.s32 $0xFFFFF086  }
0x25: {  	[simem:s6], [sflag:s4] =	dma.local [hbm:s3], $0xF7A  }
0x26: {  	[smem:$0x3F87] =	sst s1;
	(tag) =	ssettag s2;
	_ =	strace s9  }
0x27: {  	s1 =	sld [smem:$0x3F97]  }
0x28: {  	s2 =	sld [smem:$0x3F98]  }
0x29: {  	s4 =	sld [smem:$0x3F9A]  }
0x2a: {  	p0 =	seq.s32 s5, $0x0;
	s5 =	sld [smem:$0x3F9B]  }
0x2b: {  	s6 =	sld [smem:$0x3F9C]  }
0x2c: {  	s7 =	sld [smem:$0x3F9D]  }
0x2d: {  	s3 =	simm.s32 $0x108;
	s8 =	sld [smem:$0x3F9E]  }
0x2e: {  	s3 =	simm.s32 @!p0 $0x1082;
	s9 =	sld [smem:$0x3F9F]  }
0x2f: {  	lr =	sadd.s32 s0, s3;
	s0 =	sld [smem:$0x3F96]  }
0x30: {  	s3 =	sld [smem:$0x3F99]  }
0x31: {  	[smem:$0x3FA2] =	sst s10  }
0x32: {  	s10 =	sld [smem:$0x3FA0];
	_ =	sdelay $0x3  }
0x33: {  	p0 =	seq.s32 s10, $0x1;
	s10 =	sld [smem:$0x3FA2];
	_ =	sdelay $0x3  }
0x34: {  	[smem:$0x3FA2] =	sst s10  }
0x35: {  	s10 =	sld [smem:$0x3FA1];
	_ =	sdelay $0x3  }
0x36: {  	p1 =	seq.s32 s10, $0x1;
	s10 =	sld [smem:$0x3FA2];
	_ =	sdelay $0x3  }
0x37: {  	[smem:$0x3FA2] =	sst s10  }
0x38: {  	s10 =	sld [smem:$0x3FA3]  }
0x39: {  	_ = 	snop;
	(pc) =	sbr.ind lr, $3  }
0x3a: {  	_ = 	snop  }
0x3b: {  	_ = 	snop  }
0x3c: {  	p2 =	seq.s32 s10, $0x1;
	s10 =	sld [smem:$0x3FA2]  }
0x3d: {  	_ =	shalt  }
0x3e: {  	_ =	shalt  }
0x3f: {  	_ =	shalt  }
0x40: {  	_ =	shalt  }
0x41: {  	_ =	shalt  }
0x42: {  	_ =	shalt  }
0x43: {  	_ =	shalt  }
0x44: {  	_ =	shalt  }
0x45: {  	_ =	shalt  }
0x46: {  	_ =	shalt  }
0x47: {  	_ =	shalt  }
0x48: {  	_ =	shalt  }
0x49: {  	_ =	shalt  }
0x4a: {  	_ =	shalt  }
0x4b: {  	_ =	shalt  }
0x4c: {  	_ =	shalt  }
0x4d: {  	_ =	shalt  }
0x4e: {  	_ =	shalt  }
0x4f: {  	_ =	shalt  }
0x50: {  	_ =	shalt  }
0x51: {  	_ =	shalt  }
0x52: {  	_ =	shalt  }
0x53: {  	_ =	shalt  }
0x54: {  	_ =	shalt  }
0x55: {  	_ =	shalt  }
0x56: {  	_ =	shalt  }
0x57: {  	_ =	shalt  }
0x58: {  	_ =	shalt  }
0x59: {  	_ =	shalt  }
0x5a: {  	_ =	shalt  }
0x5b: {  	_ =	shalt  }
0x5c: {  	_ =	shalt  }
0x5d: {  	_ =	shalt  }
0x5e: {  	_ =	shalt  }
0x5f: {  	_ =	shalt  }
0x60: {  	_ =	shalt  }
0x61: {  	_ =	shalt  }
0x62: {  	_ =	shalt  }
0x63: {  	_ =	shalt  }
0x64: {  	_ =	shalt  }
0x65: {  	_ =	shalt  }
0x66: {  	_ =	shalt  }
0x67: {  	_ =	shalt  }
0x68: {  	_ =	shalt  }
0x69: {  	_ =	shalt  }
0x6a: {  	_ =	shalt  }
0x6b: {  	_ =	shalt  }
0x6c: {  	_ =	shalt  }
0x6d: {  	_ =	shalt  }
0x6e: {  	_ =	shalt  }
0x6f: {  	_ =	shalt  }
0x70: {  	_ =	shalt  }
0x71: {  	_ =	shalt  }
0x72: {  	_ =	shalt  }
0x73: {  	_ =	shalt  }
0x74: {  	_ =	shalt  }
0x75: {  	_ =	shalt  }
0x76: {  	_ =	shalt  }
0x77: {  	_ =	shalt  }
0x78: {  	_ =	shalt  }
0x79: {  	_ =	shalt  }
0x7a: {  	_ =	shalt  }
0x7b: {  	_ =	shalt  }
0x7c: {  	_ =	shalt  }
0x7d: {  	_ =	shalt  }
0x7e: {  	_ =	shalt  }
0x7f: {  	_ =	shalt  }
0x80: {  	_ =	shalt  }
0x81: {  	_ =	shalt  }
0x82: {  	_ =	shalt  }
0x83: {  	_ =	shalt  }
0x84: {  	_ =	shalt  }
0x85: {  	_ =	shalt  }
0x86: {  	_ =	shalt  }
0x87: {  	_ =	shalt  }
.Lfunc_end0:
.L_simem_size_0:
called_computation_lowered:
.L_overlay_start_0:
0x88: {  	s0 =	sld [smem:$0x3FD9]  }
0x89: {  	s1 =	sld [smem:$0x3FFE];
	_ =	sdelay $0x3  }
0x8a: {  	s0 =	sadd.s32 s1, s0  }
0x8b: {  	[smem:$0x3FAE] =	sst s0  }
0x8c: {  	_ = 	snop  }
0x8d: {  	s0 =	sld [smem:$0x3FD0];
	_ =	sdelay $0x2  }
0x8e: {  	s13 =	simm.s32 $0xA;
	s2 =	simm.s32 $0x10  }
0x8f: {  	[smem:s2], [sflag:s13] =	dma.local [hbm:s0], $0x1  }
0x90: {  	_ =	swait.eq [sflag:s13], $0x1  }
0x91: {  	[sflag:s13] =	ssyncset.done $0x0  }
0x92: {  	[sflag:s13] =	ssyncadd.s32 $0xFFFFFFFF  }
0x93: {  	s14 =	sld [smem:$0x10];
	(tm) =	ssettm $0x1  }
0x94: {  	s15 =	sld [smem:$0x3FFB];
	_ =	sdelay $0x3  }
0x95: {  	_ =	strace s15  }
0x96: {  	s1 =	sld [smem:$0x3FFC];
	_ =	sdelay $0x3  }
0x97: {  	_ =	strace s1  }
0x98: {  	s1 =	sld [smem:$0x3FFD];
	_ =	sdelay $0x3  }
0x99: {  	_ =	strace s1  }
0x9a: {  	_ =	strace $0x8FFFFFFF  }
0x9b: {  	s16 =	sld [smem:$0x3FDB];
	_ =	sdelay $0x1  }
0x9c: {  	s17 =	simm.s32 $_scs_section_size  }
0x9d: {  	s3 =	simm.s32 $_size__tile_overlayer_lowered;
	s4 =	simm.s32 $_tile_overlayer_lowered  }
0x9e: {  	s20 =	simm.s32 $0x1BFF;
	s19 =	sshll.u32 s4, $0x1;
	s1 =	sadd.s32 s17, s16  }
0x9f: {  	s5 =	simm.s32 $0x0;
	s18 =	sshll.u32 s3, $0x1;
	s3 =	sadd.s32 s19, s1  }
0xa0: {  	[timem:s5], [sflag:s20] =	dma.local [hbm:s3], s18  }
0xa1: {  	_ =	swait.ge [sflag:s20], s18  }
0xa2: {  	s2 =	ssub.s32 $0x0, s18;
	[sflag:s20] =	ssyncset.done $0x0  }
0xa3: {  	[sflag:s20] =	ssyncadd.s32 s2;
	_ =	sdelay $0x1  }
0xa4: {  	s21 =	simm.s32 $0x1B8B  }
0xa5: {  	_ =	swait.ge [sflag:s21], $0x1  }
0xa6: {  	[sflag:s21] =	ssyncset.done $0x0  }
0xa7: {  	s23 =	simm.s32 $0x1B8E;
	s22 =	sld [smem:$0x3FFE];
	[sflag:s21] =	ssyncadd.s32 $0xFFFFFFFF  }
0xa8: {  	s24 =	simm.s32 $execute0_lowered;
	[smem:$0x3FD2] =	sst s23  }
0xa9: {  	s3 =	sshll.u32 s24, $0x1;
	_ =	strace $0x80000049;
	[dreg:$0x1] =	wrdreg $0xFFFFFFFF  }
0xaa: {  	s25 =	simm.s32 $_size_execute0_lowered;
	s1 =	sadd.s32 s1, s3;
	[dreg:$0x0] =	wrdreg $0x0  }
0xab: {  	s3 =	sshll.u32 s25, $0x1;
	[dreg:$0x2] =	wrdreg s1  }
0xac: {  	[dreg:$0x3] =	wrdreg s3  }
0xad: {  	[dreg:$0x4] =	wrdreg $0xC0  }
0xae: {  	_ =	task [dreg:s5], $0x5FFFF  }
0xaf: {  	[dreg:$0x1] =	wrdreg $0xFFFFFFFF  }
0xb0: {  	[dreg:$0x0] =	wrdreg $0x60  }
0xb1: {  	[dreg:$0x2] =	wrdreg s22  }
0xb2: {  	[dreg:$0x3] =	wrdreg s14  }
0xb3: {  	[dreg:$0x4] =	wrdreg $0x9  }
0xb4: {  	_ =	task.clear_ibuf [dreg:s5], $0x5FFFF;
	_ =	strace $0x90000049  }
0xb5: {  	s26 =	simm.s32 $0x9;
	_ =	strace $0x8000004B  }
0xb6: {  	_ =	swait.ge [sflag:s26], $0x1  }
0xb7: {  	[sflag:s26] =	ssyncadd.s32 $0xFFFFFFFF  }
0xb8: {  	_ =	strace $0x9000004B  }
0xb9: {  	_ =	sfence  }
0xba: {  	s28 =	sld [smem:$0x0];
	_ =	sdelay $0x1  }
0xbb: {  	s29 =	srdreg.scid  }
0xbc: {  	s30 =	sshll.u32 s29, $0xD;
	s31 =	sshrl.u32 s29, $0x2  }
0xbd: {  	s2 =	sand.u32 $0x4000, s30;
	s1 =	sand.u32 $0x1, s29;
	s0 =	sadd.s32 s31, s28  }
0xbe: {  	s1 =	sor.u32 s2, s1;
	s0 =	sshll.u32 s0, $0x11  }
0xbf: {  	s0 =	sor.u32 s0, s1  }
0xc0: {  	s0 =	sadd.s32 $0x8F2B, s0  }
0xc1: {  	[sflag:s0] =	ssyncadd.remote.s32 $0x1  }
0xc2: {  	_ =	sfence.sel $0xFFFF  }
0xc3: {  	[dreg:$0x0] =	wrdreg $0xFFFFFFFF;
	(pc) =	sbr.abs _section_cstart, $3  }
0xc4: {  	[dreg:$0x1] =	wrdreg $0xFFFFFFFF  }
0xc5: {  	_ =	task.clear_ibuf [dreg:s5], $0x2FFFF;
	_ =	strace $0x9FFFFFFF  }
0xc6: {  	(tm) =	ssettm $0x7FFFFFFF  }
0xc7: {  	_ =	shalt  }
tec
execute0_lowered:
.L_overlay_start_1:
0x0: {  	(tag) =	ssettag $0x1  }
0x1: {  	s0 =	stileid.u32  }
0x2: {  	s1 =	simm.s32 $0x1;
	p0 =	sne.s32 s0, $0x0;
	s2 =	smul.u32 $0x3, s0  }
0x3: {  	s1 =	simm.s32 @!p0 $0x0  }
0x4: {  	p1 =	seq.s32 s0, $0x0;
	s0 =	simm.s32 $0x40;
	s1 =	sadd.s32 s1, s2  }
0x5: {  	s0 =	simm.s32 @!p1 $0x30;
	s5 =	sshll.u32 s1, $0x4  }
0x6: {  	s1 =	sadd.s32 s0, s5  }
0x7: {  	s7 =	smin.u32 s1, $0x310  }
0x8: {  	s8 =	ssub.s32 s7, s5  }
0x9: {  	p1 =	sgt.s32 s8, $0x0  }
0xa: {  	s8 =	simm.s32 @!p1 $0x0  }
0xb: {  	s6 =	rddreg [dreg:$0x0];
	s8 =	sshrl.u32 s8, $0x4  }
0xc: {  	s4 =	rddreg [dreg:$0x1];
	s9 =	sadd.s32 $0x1, s8  }
0xd: {  	s11 =	simm.s32 $0x0;
	s10 =	simm.s32 $0x1;
	p2 =	sne.s32 s9, $0x1  }
.Ltmp0:
0xe: {  	p3 =	por $0x0, $0x0;
	s3 =	sadd.s32 $0x3A00, s6;
	(pc) =	sbr.rel @!p2 .LBB2_1-.Ltmp0, $4  }
0xf: {  	s0 =	rddreg [dreg:$0x2];
	_ =	strace $0x8000004A;
	s1 =	simm.s32 $0x1  }
0x10: {  	s6 =	sadd.s32 $0x2E00, s6;
	s2 =	simm.s32 $0x2;
	[sflag:s1] =	ssyncpa.u1 $0x0  }
0x11: {  	(ifvalue) =	ssetifvalue $0xBD1000;
	[sflag:s2] =	ssyncpa.u1 $0x0;
	p4 =	sle.u32 s8, $0x0  }
0x12: {  	p1 =	por $0x1, $0x1;
	s14 =	sxor.u32 @!p4 $0xFFFFFFFF, s11;
	s12 =	simm.s32 @!p4 $0x0  }
0x13: {  	s13 =	sand.u32 @!p4 $0x1, s14  }
0x14: {  	s14 =	sshrl.u32 @!p4 s5, $0x3;
	s16 =	sshll.u32 @!p4 s5, $0x9;
	s17 =	sand.u32 @!p4 $0x7, s5  }
0x15: {  	s15 =	sshll.u32 @!p4 s13, $0x4;
	s13 =	sshll.u32 @!p4 s13, $0xF;
	s14 =	sadd.s32 @!p4 s6, s14  }
0x16: {  	[tilespmem:s15], [sflag:$0x2] =	stream.linear.gather @!p4 [hbm4b:s14+s17], $0x10, $0x38;
	[tilespmem:$0x10030] =	vst v63  }
0x17: {  	s14 =	sadd.s32 @!p4 s4, s16;
	s13 =	sor.u32 @!p4 $0x20, s13;
	s15 =	simm.s32 @!p1 $0x2  }
0x18: {  	[tilespmem:s13], [sflag:$0x2] =	stream.linear.gather @!p4 [hbm4b:s14+s12], $0x8000, $0x38;
	[tilespmem:$0x10030] =	vst v63  }
0x19: {  	_ =	swait.ge @!p1 [sflag:s15], $0x8010  }
0x1a: {  	p2 =	por p1, p1;
	s12 =	sand.u32 @!p1 $0x1, s11;
	[sflag:s15] =	ssyncset.done @!p1 $0x0  }
0x1b: {  	s11 =	sshll.u32 @!p2 s12, $0x4;
	[sflag:s15] =	ssyncadd.s32 @!p2 $0xFFFF7FF0  }
0x1c: {  	v0 =	vld.msk @!p2 [tilespmem:s11+$0x0 ss:$0x1], $0xffff;
	_ =	sdelay $0x4  }
0x1d: {  	v1 =	vand.u32 @!p2 $0x3F, v0  }
0x1e: {  	v2 =	vshll.u32 @!p2 v0, $0x6;
	v1 =	vmul.u32 @!p2 $0x37000, v1  }
0x1f: {  	v2 =	vand.u32 @!p2 $0x3F000, v2  }
0x20: {  	p5 =	sne.s32 s9, $0x2;
	v1 =	vadd.s32 @!p2 v2, v1  }
0x21: {  	p3 =	por $0x1, $0x1;
	s16 =	simm.s32 @!p2 $0x10020;
	s14 =	simm.s32 @!p2 $0x10;
	v1 =	vmin.u32 @!p2 v1, $0xBD1000  }
.Ltmp1:
0x22: {  	s13 =	simm.s32 @!p2 $0x1;
	s12 =	sshll.u32 @!p1 s12, $0xF;
	vm0 =	veq.s32 @!p2 v0, $0x80000000;
	v0 =	vshrl.u32 @!p2 v1, $0xB;
	(pc) =	sbr.rel @!p5 .LBB2_3-.Ltmp1, $4  }
0x23: {  	p4 =	sle.u32 s8, $0x1;
	s12 =	sor.u32 @!p1 $0x20, s12;
	p1 =	por $0x0, $0x0;
	v0 =	vsel @!p2 vm0, $0x17A2, v0  }
0x24: {  	s15 =	sadd.s32 $0x10, s5;
	s11 =	simm.s32 $0x2;
	[tilespmem:$0x10020] =	vst @!p2 v0;
	(ifvalue) =	ssetifvalue @!p2 $0xBD1000  }
0x25: {  	[hbm:s3] =	stream.indirect.scatter @!p2 [tilespmem:s12], [sflag:$0x1], $0x800, s16, s14, $0x40b8;
	[tilespmem:$0x10030] =	vst v63  }
0x26: {  	p6 =	slt.s32 s15, s7;
	s14 =	sxor.u32 @!p4 $0xFFFFFFFF, s10;
	s12 =	simm.s32 @!p4 $0x0  }
.LBB2_4:
0x27: {  	s16 =	sand.u32 @!p4 $0x1, s14;
	s14 =	smov.u32 s5  }
0x28: {  	_ =	swait.ge @!p2 [sflag:s13], $0x8000;
	s14 =	smov.u32 @p6 s15;
	s15 =	smov.u32 s11  }
0x29: {  	s18 =	sshll.u32 @!p4 s16, $0x4;
	s17 =	sshrl.u32 @!p4 s14, $0x3;
	[sflag:s13] =	ssyncset.done @!p2 $0x0  }
0x2a: {  	s16 =	sshll.u32 @!p4 s16, $0xF;
	s19 =	sshll.u32 @!p4 s14, $0x9;
	[sflag:s13] =	ssyncadd.s32 @!p2 $0xFFFF8000  }
0x2b: {  	s20 =	sand.u32 @!p4 $0x7, s14;
	s17 =	sadd.s32 @!p4 s6, s17;
	[sflag:s13] =	ssyncpa.u1 @!p2 $0x1  }
0x2c: {  	s16 =	sor.u32 @!p4 $0x20, s16;
	s13 =	sadd.s32 @!p4 s4, s19;
	s19 =	sand.u32 @!p1 $0x1, s10  }
0x2d: {  	[tilespmem:s18], [sflag:$0x2] =	stream.linear.gather @!p4 [hbm4b:s17+s20], $0x10, $0x38;
	[tilespmem:$0x10030] =	vst v63  }
0x2e: {  	s11 =	sadd.s32 $0x1, s11;
	s10 =	sshll.u32 @!p1 s19, $0xF;
	s17 =	simm.s32 @!p1 $0x2  }
0x2f: {  	[tilespmem:s16], [sflag:$0x2] =	stream.linear.gather @!p4 [hbm4b:s13+s12], $0x8000, $0x38;
	[tilespmem:$0x10030] =	vst v63  }
0x30: {  	p5 =	sne.s32 s9, s11;
	s16 =	sor.u32 @!p1 $0x20, s10;
	_ =	swait.ge @!p1 [sflag:s17], $0x8010  }
0x31: {  	p2 =	por p1, p1;
	s10 =	smov.u32 s15;
	[sflag:s17] =	ssyncset.done @!p1 $0x0  }
0x32: {  	s12 =	sshll.u32 @!p2 s19, $0x4;
	[sflag:s17] =	ssyncadd.s32 @!p2 $0xFFFF7FF0  }
0x33: {  	v0 =	vld.msk @!p2 [tilespmem:s12+$0x0 ss:$0x1], $0xffff;
	_ =	sdelay $0x5  }
0x34: {  	v1 =	vand.u32 @!p2 $0x3F, v0;
	v2 =	vshll.u32 @!p2 v0, $0x6  }
0x35: {  	v1 =	vmul.u32 @!p2 $0x37000, v1;
	v2 =	vand.u32 @!p2 $0x3F000, v2;
	_ =	sdelay $0x1  }
0x36: {  	v1 =	vadd.s32 @!p2 v2, v1  }
0x37: {  	vm0 =	veq.s32 @!p2 v0, $0x80000000;
	v0 =	vmin.u32 @!p2 v1, $0xBD1000  }
.Ltmp2:
0x38: {  	s18 =	simm.s32 @!p2 $0x10020;
	s17 =	simm.s32 @!p2 $0x10;
	v0 =	vshrl.u32 @!p2 v0, $0xB;
	(pc) =	sbr.rel @p5 .LBB2_4-.Ltmp2, $4  }
0x39: {  	s13 =	simm.s32 @!p2 $0x1;
	s15 =	sadd.s32 $0x10, s14;
	v0 =	vsel @!p2 vm0, $0x17A2, v0  }
0x3a: {  	p4 =	sge.u32 s10, s8;
	p6 =	slt.s32 s15, s7;
	p1 =	seq.s32 s10, $0x0;
	[tilespmem:$0x10020] =	vst @!p2 v0  }
0x3b: {  	s14 =	sxor.u32 @!p4 $0xFFFFFFFF, s10;
	s12 =	simm.s32 @!p4 $0x0;
	(ifvalue) =	ssetifvalue @!p2 $0xBD1000  }
0x3c: {  	[hbm:s3] =	stream.indirect.scatter @!p2 [tilespmem:s16], [sflag:$0x1], $0x800, s18, s17, $0x40b8;
	[tilespmem:$0x10030] =	vst v63  }
0x3d: {  	s11 =	smov.u32 s10  }
.LBB2_6:
0x3e: {  	p5 =	por !p6, !p3;
	p2 =	por p2, !p3;
	s7 =	sand.u32 @!p4 $0x1, s14  }
0x3f: {  	s15 =	smov.u32 @p5 s5;
	_ =	swait.ge @!p2 [sflag:s13], $0x8000;
	s9 =	sshll.u32 @!p4 s7, $0x4  }
0x40: {  	s7 =	sshll.u32 @!p4 s7, $0xF;
	s5 =	smov.u32 @p3 s15;
	[sflag:s13] =	ssyncset.done @!p2 $0x0  }
0x41: {  	s8 =	sshrl.u32 @!p4 s5, $0x3;
	s10 =	sshll.u32 @!p4 s5, $0x9;
	[sflag:s13] =	ssyncadd.s32 @!p2 $0xFFFF8000  }
0x42: {  	s5 =	sand.u32 @!p4 $0x7, s5;
	s6 =	sadd.s32 @!p4 s6, s8;
	[sflag:s13] =	ssyncpa.u1 @!p2 $0x1  }
0x43: {  	[tilespmem:s9], [sflag:$0x2] =	stream.linear.gather @!p4 [hbm4b:s6+s5], $0x10, $0x38;
	[tilespmem:$0x10030] =	vst v63  }
0x44: {  	s4 =	sadd.s32 @!p4 s4, s10;
	s5 =	sor.u32 @!p4 $0x20, s7;
	s6 =	simm.s32 @!p1 $0x2  }
0x45: {  	[tilespmem:s5], [sflag:$0x2] =	stream.linear.gather @!p4 [hbm4b:s4+s12], $0x8000, $0x38;
	[tilespmem:$0x10030] =	vst v63  }
0x46: {  	_ =	swait.ge @!p1 [sflag:s6], $0x8010  }
0x47: {  	p2 =	por p1, p1;
	s4 =	sand.u32 @!p1 $0x1, s11;
	[sflag:s6] =	ssyncset.done @!p1 $0x0  }
0x48: {  	s5 =	sshll.u32 @!p2 s4, $0x4;
	[sflag:s6] =	ssyncadd.s32 @!p2 $0xFFFF7FF0  }
0x49: {  	v0 =	vld.msk @!p2 [tilespmem:s5+$0x0 ss:$0x1], $0xffff;
	_ =	sdelay $0x4  }
0x4a: {  	v1 =	vand.u32 @!p2 $0x3F, v0  }
0x4b: {  	v2 =	vshll.u32 @!p2 v0, $0x6;
	v1 =	vmul.u32 @!p2 $0x37000, v1  }
0x4c: {  	v2 =	vand.u32 @!p2 $0x3F000, v2  }
0x4d: {  	v1 =	vadd.s32 @!p2 v2, v1  }
0x4e: {  	v1 =	vmin.u32 @!p2 v1, $0xBD1000  }
0x4f: {  	s4 =	sshll.u32 @!p1 s4, $0xF;
	vm0 =	veq.s32 @!p2 v0, $0x80000000;
	v0 =	vshrl.u32 @!p2 v1, $0xB  }
0x50: {  	s7 =	simm.s32 @!p2 $0x1;
	s4 =	sor.u32 @!p1 $0x20, s4;
	v0 =	vsel @!p2 vm0, $0x17A2, v0  }
0x51: {  	s6 =	simm.s32 @!p2 $0x10020;
	s5 =	simm.s32 @!p2 $0x10;
	[tilespmem:$0x10020] =	vst @!p2 v0;
	(ifvalue) =	ssetifvalue @!p2 $0xBD1000  }
0x52: {  	[hbm:s3] =	stream.indirect.scatter @!p2 [tilespmem:s4], [sflag:$0x1], $0x800, s6, s5, $0x40b8;
	[tilespmem:$0x10030] =	vst v63  }
0x53: {  	_ =	swait.ge @!p2 [sflag:s7], $0x8000  }
0x54: {  	[sflag:s7] =	ssyncset.done @!p2 $0x0  }
0x55: {  	[sflag:s7] =	ssyncadd.s32 @!p2 $0xFFFF8000  }
0x56: {  	[sflag:s7] =	ssyncpa.u1 @!p2 $0x1  }
0x57: {  	_ =	sfence.sel $0x180000  }
0x58: {  	[bflag:$0x0] =	sbarrier.arrive $0xFFFF  }
0x59: {  	[sflag:s2] =	ssyncpa.u1 $0x1  }
0x5a: {  	[sflag:s1] =	ssyncpa.u1 $0x1  }
0x5b: {  	_ =	strace $0x9000004A  }
0x5c: {  	s0 =	sadd.s32 @!p0 $0x100000, s0;
	[bflag:$0x2] =	sbarrier.arrive $0xFFFF  }
0x5d: {  	[sflag:s0] =	ssyncadd.tile.s32 @!p0 $0x1;
	_ =	shalt  }
.LBB2_1:
.Ltmp3:
0x5e: {  	(pc) =	sbr.rel .LBB2_6-.Ltmp3, $2  }
0x5f: {  	_ =	sdelay $0x2  }
0x60: {  	_ = 	snop  }
.LBB2_3:
.Ltmp4:
0x61: {  	(pc) =	sbr.rel .LBB2_6-.Ltmp4, $2  }
0x62: {  	_ =	sdelay $0x2  }
0x63: {  	s11 =	simm.s32 $0x1  }
.Lfunc_end2:
_tile_overlayer_lowered:
.L_overlay_start_2:
0x64: {  	(tag) =	ssettag $0x2  }
0x65: {  	s0 =	rddreg [dreg:$0x0];
	s2 =	stileid.u32  }
0x66: {  	s1 =	rddreg [dreg:$0x1];
	p0 =	sne.s32 s2, $0x0  }
0x67: {  	s3 =	rddreg [dreg:$0x2];
	[bflag:$0x3] =	sbarrier.arrive $0xFFFF;
	s2 =	simm.s32 @!p0 $0x1C01  }
0x68: {  	[timem:s3], [sflag:s2] =	dma.local @!p0 [hbm:s0], s1  }
0x69: {  	s0 =	simm.s32 @!p0 $0x1  }
0x6a: {  	_ =	swait.ge @!p0 [sflag:s0], s1  }
0x6b: {  	s1 =	ssub.s32 @!p0 $0x0, s1;
	[sflag:s0] =	ssyncset.done @!p0 $0x0  }
0x6c: {  	[sflag:s0] =	ssyncadd.s32 @!p0 s1  }
0x6d: {  	[bflag:$0x3] =	sbarrier.arrive $0xFFFF  }
0x6e: {  	_ =	shalt  }

</sc_bundles>
